<compile_context>
chip_gen: v7x
topology: tpu7x:2x2x1
jax: 0.10.2.dev20260603
libtpu: 0.0.44.dev20260713+nightly
codegen_flags: <defaults>
</compile_context>

<pallas_src>
import functools

import jax
import jax.numpy as jnp
from jax import lax
from jax.experimental import pallas as pl
from jax.experimental.pallas import tpu as pltpu
from jax.experimental.pallas import tpu_sc as plsc

NC = 2
NS = 16
LANES = 16


def _project_kernel(wc_ref, wb_ref, x_ref, out_ref):
    r = pl.program_id(1)
    w = (wc_ref[r, 0] * wb_ref[0]
         + wc_ref[r, 1] * wb_ref[1]
         + wc_ref[r, 2] * wb_ref[2]
         + wc_ref[r, 3] * wb_ref[3])
    out_ref[0] = jnp.dot(x_ref[...], w, preferred_element_type=jnp.float32)


def _finalize_kernel(p_ref, out_ref):
    out_ref[...] = jnp.maximum(p_ref[0] + p_ref[1], 0.0)


def _sc_edge_kernel(n_nodes, n_acc, n_edges, d, chunk, *refs):
    (pre_hbm, e3_hbm, zeros_hbm, part_hbm) = refs[:4]
    e3s = refs[4:8]
    dsts = refs[8:12]
    idxs = refs[12:16]
    rows = refs[16:20]
    acc = refs[20]
    gsems = refs[21:25]
    esems = refs[25:29]
    ssems = refs[29:33]
    c = lax.axis_index("c")
    s = lax.axis_index("s")
    wid = c * NS + s

    edges_per_tile = n_edges // (NC * NS)
    n_chunks = edges_per_tile // chunk

    base = wid * edges_per_tile

    def eload(ch, b):
        off3 = (base + ch * chunk) * 3
        pltpu.async_copy(e3_hbm.at[pl.ds(off3, 3 * chunk)], e3s[b], esems[b])

    def ewait(ch, b):
        off3 = (base + ch * chunk) * 3
        pltpu.make_async_copy(e3_hbm.at[pl.ds(off3, 3 * chunk)], e3s[b],
                              esems[b]).wait()

    def sdrain(b):
        pltpu.make_async_copy(rows[b], acc.at[dsts[b]], ssems[b]).wait()

    def stage(ch, b, sguard):
        ewait(ch, b)
        if sguard is True:
            sdrain(b)
        elif sguard is not None:
            @pl.when(sguard)
            def _():
                sdrain(b)
        for i in range(chunk // LANES):
            sl = pl.ds(i * LANES, LANES)
            idxs[b][sl] = (e3s[b][pl.ds(chunk + i * LANES, LANES)] * n_nodes
                           + e3s[b][pl.ds(i * LANES, LANES)])
            dsts[b][sl] = e3s[b][pl.ds(2 * chunk + i * LANES, LANES)]
        pltpu.async_copy(pre_hbm.at[idxs[b]], rows[b], gsems[b])

    def finish(b):
        pltpu.make_async_copy(pre_hbm.at[idxs[b]], rows[b], gsems[b]).wait()
        pltpu.async_copy(rows[b], acc.at[dsts[b]], ssems[b], add=True)

    for b in range(4):
        eload(b, b)
    zrows = n_acc // NS
    pltpu.sync_copy(zeros_hbm, acc.at[pl.ds(s * zrows, zrows)])
    plsc.subcore_barrier()

    stage(0, 0, None)
    stage(1, 1, None)
    stage(2, 2, None)
    n_full = (n_chunks - 5) // 4

    def body(p, _):
        ch = 4 * p
        for k in range(4):
            eload(ch + k + 4, k)
            stage(ch + k + 3, (k + 3) % 4, p > 0 if k == 0 else True)
            finish(k)
        return ()

    lax.fori_loop(0, n_full, body, (), unroll=False)
    t = 4 * n_full
    eload(t + 4, (t + 4) % 4)
    stage(t + 3, (t + 3) % 4, True if n_full else None)
    finish(t % 4)
    stage(t + 4, (t + 4) % 4, True)
    finish((t + 1) % 4)
    finish((t + 2) % 4)
    finish((t + 3) % 4)
    finish((t + 4) % 4)
    for b in range(4):
        sdrain(b)

    plsc.subcore_barrier()

    rblk = 80
    n_rblk = n_nodes // rblk

    def out_body(it, _):
        j = it * NS + s

        @pl.when(j < n_rblk)
        def _():
            pltpu.sync_copy(acc.at[pl.ds(j * rblk, rblk)],
                            part_hbm.at[c, pl.ds(j * rblk, rblk)])
        return ()

    lax.fori_loop(0, (n_rblk + NS - 1) // NS, out_body, ())


def kernel(x, edge_index, edge_type, W_basis, W_comp):
    n_nodes, d_in = x.shape
    n_basis, _, d_out = W_basis.shape
    n_rel = W_comp.shape[0]
    n_edges = edge_type.shape[0]

    src = edge_index[0].astype(jnp.int32)
    dst = edge_index[1].astype(jnp.int32)
    typ = edge_type.astype(jnp.int32)

    bn = 2000
    nb = n_nodes // bn
    pre = pl.pallas_call(
        _project_kernel,
        grid=(nb, n_rel),
        in_specs=[
            pl.BlockSpec(memory_space=pltpu.SMEM),
            pl.BlockSpec((n_basis, d_in, d_out), lambda b, r: (0, 0, 0)),
            pl.BlockSpec((bn, d_in), lambda b, r: (b, 0)),
        ],
        out_specs=pl.BlockSpec((1, bn, d_out), lambda b, r: (r, b, 0)),
        out_shape=jax.ShapeDtypeStruct((n_rel, n_nodes, d_out), jnp.float32),
    )(W_comp, W_basis, x)
    pre_flat = pre.reshape(n_rel * n_nodes, d_out)

    chunk = 80
    n_acc = -(-n_nodes // (NS * 8)) * NS * 8
    zeros = jnp.zeros((n_acc // NS, d_out), jnp.float32)
    e3 = jnp.stack([src.reshape(-1, chunk), typ.reshape(-1, chunk),
                    dst.reshape(-1, chunk)], axis=1).reshape(-1)

    mesh = plsc.VectorSubcoreMesh(core_axis_name="c", subcore_axis_name="s")
    sc_fn = pl.kernel(
        functools.partial(_sc_edge_kernel, n_nodes, n_acc, n_edges, d_out,
                          chunk),
        out_type=jax.ShapeDtypeStruct((NC, n_nodes, d_out), jnp.float32),
        mesh=mesh,
        scratch_types=(
            [pltpu.VMEM((3 * chunk,), jnp.int32)] * 4
            + [pltpu.VMEM((chunk,), jnp.int32)] * 8
            + [pltpu.VMEM((chunk, d_out), jnp.float32)] * 4
            + [pltpu.VMEM_SHARED((n_acc, d_out), jnp.float32)]
            + [pltpu.SemaphoreType.DMA] * 12
        ),
    )
    partials = sc_fn(pre_flat, e3, zeros)

    out = pl.pallas_call(
        _finalize_kernel,
        grid=(nb,),
        in_specs=[pl.BlockSpec((NC, bn, d_out), lambda b: (0, b, 0))],
        out_specs=pl.BlockSpec((bn, d_out), lambda b: (b, 0)),
        out_shape=jax.ShapeDtypeStruct((n_nodes, d_out), jnp.float32),
    )(partials)
    return out

# --- scband reference (transcript-rebuilt; emitter-appended) ---
"""Pipeline reference for scband-relation-graph-convolution-with-basis-regularization-16982300688783 (READ-ONLY COPY).

The authoritative reference and input builder live on the scoring server;
editing this copy changes nothing except your own understanding.
"""

import jax, jax.numpy as jnp
import numpy as np

N_NODES = 10000
N_EDGES = 320000
D_IN = 128
D_OUT = 128
N_REL = 8
N_BASIS = 4


def _glorot(key, shape):
    limit = np.sqrt(6.0 / (shape[-2] + shape[-1]))
    return jax.random.uniform(key, shape, minval=-limit, maxval=limit, dtype=jnp.float32)


def setup_inputs(seed: int = 0) -> dict:
    key = jax.random.key(seed)
    k_x, k_ei, k_et, k_wb, k_wc = jax.random.split(key, 5)
    x = jax.random.normal(k_x, (N_NODES, D_IN), dtype=jnp.float32)
    edge_index = jax.random.randint(k_ei, (2, N_EDGES), 0, N_NODES, dtype=jnp.int64)
    edge_type = jax.random.randint(k_et, (N_EDGES,), 0, N_REL, dtype=jnp.int64)
    # basis weights: basis_num stacked [input_dim, output_dim] glorot matrices
    W_basis = _glorot(k_wb, (N_BASIS, D_IN, D_OUT))
    # relation->basis coefficients: [num_relations, basis_num]
    W_comp = _glorot(k_wc, (N_REL, N_BASIS))
    return {"x": x, "edge_index": edge_index, "edge_type": edge_type,
            "W_basis": W_basis, "W_comp": W_comp}


def reference(x, edge_index, edge_type, W_basis, W_comp):
    # weight_i = sum_j comp[i, j] * W_j  (basis regularization)
    W_rel = jnp.einsum('rb,bio->rio', W_comp, W_basis)  # [R, D_IN, D_OUT]
    src = edge_index[0]
    dst = edge_index[1]
    n_nodes = x.shape[0]
    out = jnp.zeros((n_nodes, W_basis.shape[2]), dtype=x.dtype)
    for r in range(W_comp.shape[0]):
        # pre_sup = x @ weight_r  (dense dot, featureless=False)
        pre_sup = x @ W_rel[r]
        # support = A_r @ pre_sup : sparse adjacency matmul implemented as
        # gather on src + masked scatter-add on dst restricted to relation r
        mask = (edge_type == r).astype(x.dtype)[:, None]
        msgs = jnp.take(pre_sup, src, axis=0) * mask
        out = out + jnp.zeros((n_nodes, W_basis.shape[2]), dtype=x.dtype).at[dst].add(msgs)
    # act = relu, bias = False
    return jax.nn.relu(out)

if __name__ == "__main__":
    import jax
    _d = setup_inputs()
    print(jax.jit(kernel)(*tuple(_d.values())))

</pallas_src>

<mosaic_0001>
#map = affine_map<(d0, d1) -> (0, 0)>
#map1 = affine_map<(d0, d1) -> (0)>
#map2 = affine_map<(d0, d1) -> (0, 0, 0)>
module attributes {stable_mosaic.version = 14 : i64} {
  func.func @_sc_edge_kernel(%arg0: i32, %arg1: i32, %arg2: memref<80000x128xf32, #tpu.memory_space<hbm>>, %arg3: memref<960000xi32, #tpu.memory_space<hbm>>, %arg4: memref<632x128xf32, #tpu.memory_space<hbm>>, %arg5: memref<2x10000x128xf32, #tpu.memory_space<hbm>>, %arg6: memref<240xi32, #tpu.memory_space<vmem>>, %arg7: memref<240xi32, #tpu.memory_space<vmem>>, %arg8: memref<240xi32, #tpu.memory_space<vmem>>, %arg9: memref<240xi32, #tpu.memory_space<vmem>>, %arg10: memref<80xi32, #tpu.memory_space<vmem>>, %arg11: memref<80xi32, #tpu.memory_space<vmem>>, %arg12: memref<80xi32, #tpu.memory_space<vmem>>, %arg13: memref<80xi32, #tpu.memory_space<vmem>>, %arg14: memref<80xi32, #tpu.memory_space<vmem>>, %arg15: memref<80xi32, #tpu.memory_space<vmem>>, %arg16: memref<80xi32, #tpu.memory_space<vmem>>, %arg17: memref<80xi32, #tpu.memory_space<vmem>>, %arg18: memref<80x128xf32, #tpu.memory_space<vmem>>, %arg19: memref<80x128xf32, #tpu.memory_space<vmem>>, %arg20: memref<80x128xf32, #tpu.memory_space<vmem>>, %arg21: memref<80x128xf32, #tpu.memory_space<vmem>>, %arg22: memref<10112x128xf32, #tpu.memory_space<vmem_shared>>, %arg23: memref<!tpu.dma_semaphore, #tpu.memory_space<semaphore_mem>>, %arg24: memref<!tpu.dma_semaphore, #tpu.memory_space<semaphore_mem>>, %arg25: memref<!tpu.dma_semaphore, #tpu.memory_space<semaphore_mem>>, %arg26: memref<!tpu.dma_semaphore, #tpu.memory_space<semaphore_mem>>, %arg27: memref<!tpu.dma_semaphore, #tpu.memory_space<semaphore_mem>>, %arg28: memref<!tpu.dma_semaphore, #tpu.memory_space<semaphore_mem>>, %arg29: memref<!tpu.dma_semaphore, #tpu.memory_space<semaphore_mem>>, %arg30: memref<!tpu.dma_semaphore, #tpu.memory_space<semaphore_mem>>, %arg31: memref<!tpu.dma_semaphore, #tpu.memory_space<semaphore_mem>>, %arg32: memref<!tpu.dma_semaphore, #tpu.memory_space<semaphore_mem>>, %arg33: memref<!tpu.dma_semaphore, #tpu.memory_space<semaphore_mem>>, %arg34: memref<!tpu.dma_semaphore, #tpu.memory_space<semaphore_mem>>) attributes {dimension_semantics = [#tpu.dimension_semantics<core_parallel>, #tpu.dimension_semantics<subcore_parallel>], iteration_bounds = array<i64: 2, 16>, scalar_prefetch = 0 : i64, scratch_operands = 29 : i64, tpu.core_type = #tpu.core_type<sc_vector_subcore>, window_params = [{transform_indices = #map}, {transform_indices = #map1}, {transform_indices = #map}, {transform_indices = #map2}]} {
    %mul3A = arith.constant 16 : i32
    %mul3A_0 = arith.muli %arg0, %mul3A : i32
    %add3A = arith.addi %mul3A_0, %arg1 : i32
    %mul3A_1 = arith.constant 10000 : i32
    %mul3A_2 = arith.muli %add3A, %mul3A_1 : i32
    %add3A_3 = arith.constant 0 : i32
    %add3A_4 = arith.addi %mul3A_2, %add3A_3 : i32
    %mul3A_5 = arith.constant 3 : i32
    %mul3A_6 = arith.muli %add3A_4, %mul3A_5 : i32
    %dma_start3A = tpu.memref_slice %arg3[%mul3A_6] : memref<960000xi32, #tpu.memory_space<hbm>> -> memref<240xi32, #tpu.memory_space<hbm>>
    %dma_start3A_7 = tpu.memref_slice %arg3[%mul3A_6] : memref<960000xi32, #tpu.memory_space<hbm>> -> memref<240xi32, #tpu.memory_space<hbm>>
    tpu.enqueue_dma source(%dma_start3A_7 : memref<240xi32, #tpu.memory_space<hbm>>) target(%arg6 : memref<240xi32, #tpu.memory_space<vmem>>) target_semaphore(%arg27 : memref<!tpu.dma_semaphore, #tpu.memory_space<semaphore_mem>>)
    %add3A_8 = arith.constant 80 : i32
    %add3A_9 = arith.addi %mul3A_2, %add3A_8 : i32
    %mul3A_10 = arith.constant 3 : i32
    %mul3A_11 = arith.muli %add3A_9, %mul3A_10 : i32
    %dma_start3A_12 = tpu.memref_slice %arg3[%mul3A_11] : memref<960000xi32, #tpu.memory_space<hbm>> -> memref<240xi32, #tpu.memory_space<hbm>>
    %dma_start3A_13 = tpu.memref_slice %arg3[%mul3A_11] : memref<960000xi32, #tpu.memory_space<hbm>> -> memref<240xi32, #tpu.memory_space<hbm>>
    tpu.enqueue_dma source(%dma_start3A_13 : memref<240xi32, #tpu.memory_space<hbm>>) target(%arg7 : memref<240xi32, #tpu.memory_space<vmem>>) target_semaphore(%arg28 : memref<!tpu.dma_semaphore, #tpu.memory_space<semaphore_mem>>)
    %add3A_14 = arith.constant 160 : i32
    %add3A_15 = arith.addi %mul3A_2, %add3A_14 : i32
    %mul3A_16 = arith.constant 3 : i32
    %mul3A_17 = arith.muli %add3A_15, %mul3A_16 : i32
    %dma_start3A_18 = tpu.memref_slice %arg3[%mul3A_17] : memref<960000xi32, #tpu.memory_space<hbm>> -> memref<240xi32, #tpu.memory_space<hbm>>
    %dma_start3A_19 = tpu.memref_slice %arg3[%mul3A_17] : memref<960000xi32, #tpu.memory_space<hbm>> -> memref<240xi32, #tpu.memory_space<hbm>>
    tpu.enqueue_dma source(%dma_start3A_19 : memref<240xi32, #tpu.memory_space<hbm>>) target(%arg8 : memref<240xi32, #tpu.memory_space<vmem>>) target_semaphore(%arg29 : memref<!tpu.dma_semaphore, #tpu.memory_space<semaphore_mem>>)
    %add3A_20 = arith.constant 240 : i32
    %add3A_21 = arith.addi %mul3A_2, %add3A_20 : i32
    %mul3A_22 = arith.constant 3 : i32
    %mul3A_23 = arith.muli %add3A_21, %mul3A_22 : i32
    %dma_start3A_24 = tpu.memref_slice %arg3[%mul3A_23] : memref<960000xi32, #tpu.memory_space<hbm>> -> memref<240xi32, #tpu.memory_space<hbm>>
    %dma_start3A_25 = tpu.memref_slice %arg3[%mul3A_23] : memref<960000xi32, #tpu.memory_space<hbm>> -> memref<240xi32, #tpu.memory_space<hbm>>
    tpu.enqueue_dma source(%dma_start3A_25 : memref<240xi32, #tpu.memory_space<hbm>>) target(%arg9 : memref<240xi32, #tpu.memory_space<vmem>>) target_semaphore(%arg30 : memref<!tpu.dma_semaphore, #tpu.memory_space<semaphore_mem>>)
    %mul3A_26 = arith.constant 632 : i32
    %mul3A_27 = arith.muli %arg1, %mul3A_26 : i32
    "tpu.region"() ({
      %run_scoped3A = tpu.sem_alloc : memref<!tpu.dma_semaphore, #tpu.memory_space<semaphore_mem>>
      %dma_start3A_659 = arith.constant 0 : i32
      %dma_start3A_660 = tpu.memref_slice %arg22[%mul3A_27, %dma_start3A_659] : memref<10112x128xf32, #tpu.memory_space<vmem_shared>> -> memref<632x128xf32, #tpu.memory_space<vmem_shared>>
      tpu.enqueue_dma source(%arg4 : memref<632x128xf32, #tpu.memory_space<hbm>>) target(%dma_start3A_660 : memref<632x128xf32, #tpu.memory_space<vmem_shared>>) target_semaphore(%run_scoped3A : memref<!tpu.dma_semaphore, #tpu.memory_space<semaphore_mem>>)
      %dma_wait3A_661 = arith.constant 0 : i32
      %dma_wait3A_662 = tpu.memref_slice %arg22[%mul3A_27, %dma_wait3A_661] : memref<10112x128xf32, #tpu.memory_space<vmem_shared>> -> memref<632x128xf32, #tpu.memory_space<vmem_shared>>
      tpu.wait_dma2 semaphore(%run_scoped3A : memref<!tpu.dma_semaphore, #tpu.memory_space<semaphore_mem>>) src(%arg4 : memref<632x128xf32, #tpu.memory_space<hbm>>) dst(%dma_wait3A_662 : memref<632x128xf32, #tpu.memory_space<vmem_shared>>)
      tpu.yield
    }) : () -> ()
    %barrier3A = arith.constant 0 : index
    tpu.barrier barrier_id(%barrier3A)
    %add3A_28 = arith.constant 0 : i32
    %add3A_29 = arith.addi %mul3A_2, %add3A_28 : i32
    %mul3A_30 = arith.constant 3 : i32
    %mul3A_31 = arith.muli %add3A_29, %mul3A_30 : i32
    %dma_wait3A = tpu.memref_slice %arg3[%mul3A_31] : memref<960000xi32, #tpu.memory_space<hbm>> -> memref<240xi32, #tpu.memory_space<hbm>>
    %dma_wait3A_32 = tpu.memref_slice %arg3[%mul3A_31] : memref<960000xi32, #tpu.memory_space<hbm>> -> memref<240xi32, #tpu.memory_space<hbm>>
    tpu.wait_dma2 semaphore(%arg27 : memref<!tpu.dma_semaphore, #tpu.memory_space<semaphore_mem>>) src(%dma_wait3A_32 : memref<240xi32, #tpu.memory_space<hbm>>) dst(%arg6 : memref<240xi32, #tpu.memory_space<vmem>>)
    %get3A = arith.constant 80 : index
    %get3A_33 = tpu.vector_load %arg6[%get3A] {strides = array<i32>} : memref<240xi32, #tpu.memory_space<vmem>>, vector<16xi32>,
    %get3A_34 = vector.shape_cast %get3A_33 : vector<16xi32> to vector<16xi32>
    %mul3A_35 = arith.constant 10000 : i32
    %mul3A_36 = vector.broadcast %mul3A_35 : i32 to vector<16xi32>
    %mul3A_37 = arith.muli %get3A_34, %mul3A_36 : vector<16xi32>
    %get3A_38 = arith.constant 0 : index
    %get3A_39 = tpu.vector_load %arg6[%get3A_38] {strides = array<i32>} : memref<240xi32, #tpu.memory_space<vmem>>, vector<16xi32>,
    %get3A_40 = vector.shape_cast %get3A_39 : vector<16xi32> to vector<16xi32>
    %add3A_41 = arith.addi %mul3A_37, %get3A_40 : vector<16xi32>
    %swap3A = arith.constant 0 : index
    %swap3A_42 = tpu.vector_load %arg14[%swap3A] {strides = array<i32>} : memref<80xi32, #tpu.memory_space<vmem>>, vector<16xi32>,
    %swap3A_43 = vector.shape_cast %swap3A_42 : vector<16xi32> to vector<16xi32>
    %swap3A_44 = vector.shape_cast %add3A_41 : vector<16xi32> to vector<16xi32>
    tpu.vector_store %arg14[%swap3A], %swap3A_44 {strides = array<i32>} : memref<80xi32, #tpu.memory_space<vmem>>, vector<16xi32>,
    %get3A_45 = arith.constant 160 : index
    %get3A_46 = tpu.vector_load %arg6[%get3A_45] {strides = array<i32>} : memref<240xi32, #tpu.memory_space<vmem>>, vector<16xi32>,
    %get3A_47 = vector.shape_cast %get3A_46 : vector<16xi32> to vector<16xi32>
    %swap3A_48 = arith.constant 0 : index
    %swap3A_49 = tpu.vector_load %arg10[%swap3A_48] {strides = array<i32>} : memref<80xi32, #tpu.memory_space<vmem>>, vector<16xi32>,
    %swap3A_50 = vector.shape_cast %swap3A_49 : vector<16xi32> to vector<16xi32>
    %swap3A_51 = vector.shape_cast %get3A_47 : vector<16xi32> to vector<16xi32>
    tpu.vector_store %arg10[%swap3A_48], %swap3A_51 {strides = array<i32>} : memref<80xi32, #tpu.memory_space<vmem>>, vector<16xi32>,
    %get3A_52 = arith.constant 96 : index
    %get3A_53 = tpu.vector_load %arg6[%get3A_52] {strides = array<i32>} : memref<240xi32, #tpu.memory_space<vmem>>, vector<16xi32>,
    %get3A_54 = vector.shape_cast %get3A_53 : vector<16xi32> to vector<16xi32>
    %mul3A_55 = arith.constant 10000 : i32
    %mul3A_56 = vector.broadcast %mul3A_55 : i32 to vector<16xi32>
    %mul3A_57 = arith.muli %get3A_54, %mul3A_56 : vector<16xi32>
    %get3A_58 = arith.constant 16 : index
    %get3A_59 = tpu.vector_load %arg6[%get3A_58] {strides = array<i32>} : memref<240xi32, #tpu.memory_space<vmem>>, vector<16xi32>,
    %get3A_60 = vector.shape_cast %get3A_59 : vector<16xi32> to vector<16xi32>
    %add3A_61 = arith.addi %mul3A_57, %get3A_60 : vector<16xi32>
    %swap3A_62 = arith.constant 16 : index
    %swap3A_63 = tpu.vector_load %arg14[%swap3A_62] {strides = array<i32>} : memref<80xi32, #tpu.memory_space<vmem>>, vector<16xi32>,
    %swap3A_64 = vector.shape_cast %swap3A_63 : vector<16xi32> to vector<16xi32>
    %swap3A_65 = vector.shape_cast %add3A_61 : vector<16xi32> to vector<16xi32>
    tpu.vector_store %arg14[%swap3A_62], %swap3A_65 {strides = array<i32>} : memref<80xi32, #tpu.memory_space<vmem>>, vector<16xi32>,
    %get3A_66 = arith.constant 176 : index
    %get3A_67 = tpu.vector_load %arg6[%get3A_66] {strides = array<i32>} : memref<240xi32, #tpu.memory_space<vmem>>, vector<16xi32>,
    %get3A_68 = vector.shape_cast %get3A_67 : vector<16xi32> to vector<16xi32>
    %swap3A_69 = arith.constant 16 : index
    %swap3A_70 = tpu.vector_load %arg10[%swap3A_69] {strides = array<i32>} : memref<80xi32, #tpu.memory_space<vmem>>, vector<16xi32>,
    %swap3A_71 = vector.shape_cast %swap3A_70 : vector<16xi32> to vector<16xi32>
    %swap3A_72 = vector.shape_cast %get3A_68 : vector<16xi32> to vector<16xi32>
    tpu.vector_store %arg10[%swap3A_69], %swap3A_72 {strides = array<i32>} : memref<80xi32, #tpu.memory_space<vmem>>, vector<16xi32>,
    %get3A_73 = arith.constant 112 : index
    %get3A_74 = tpu.vector_load %arg6[%get3A_73] {strides = array<i32>} : memref<240xi32, #tpu.memory_space<vmem>>, vector<16xi32>,
    %get3A_75 = vector.shape_cast %get3A_74 : vector<16xi32> to vector<16xi32>
    %mul3A_76 = arith.constant 10000 : i32
    %mul3A_77 = vector.broadcast %mul3A_76 : i32 to vector<16xi32>
    %mul3A_78 = arith.muli %get3A_75, %mul3A_77 : vector<16xi32>
    %get3A_79 = arith.constant 32 : index
    %get3A_80 = tpu.vector_load %arg6[%get3A_79] {strides = array<i32>} : memref<240xi32, #tpu.memory_space<vmem>>, vector<16xi32>,
    %get3A_81 = vector.shape_cast %get3A_80 : vector<16xi32> to vector<16xi32>
    %add3A_82 = arith.addi %mul3A_78, %get3A_81 : vector<16xi32>
    %swap3A_83 = arith.constant 32 : index
    %swap3A_84 = tpu.vector_load %arg14[%swap3A_83] {strides = array<i32>} : memref<80xi32, #tpu.memory_space<vmem>>, vector<16xi32>,
    %swap3A_85 = vector.shape_cast %swap3A_84 : vector<16xi32> to vector<16xi32>
    %swap3A_86 = vector.shape_cast %add3A_82 : vector<16xi32> to vector<16xi32>
    tpu.vector_store %arg14[%swap3A_83], %swap3A_86 {strides = array<i32>} : memref<80xi32, #tpu.memory_space<vmem>>, vector<16xi32>,
    %get3A_87 = arith.constant 192 : index
    %get3A_88 = tpu.vector_load %arg6[%get3A_87] {strides = array<i32>} : memref<240xi32, #tpu.memory_space<vmem>>, vector<16xi32>,
    %get3A_89 = vector.shape_cast %get3A_88 : vector<16xi32> to vector<16xi32>
    %swap3A_90 = arith.constant 32 : index
    %swap3A_91 = tpu.vector_load %arg10[%swap3A_90] {strides = array<i32>} : memref<80xi32, #tpu.memory_space<vmem>>, vector<16xi32>,
    %swap3A_92 = vector.shape_cast %swap3A_91 : vector<16xi32> to vector<16xi32>
    %swap3A_93 = vector.shape_cast %get3A_89 : vector<16xi32> to vector<16xi32>
    tpu.vector_store %arg10[%swap3A_90], %swap3A_93 {strides = array<i32>} : memref<80xi32, #tpu.memory_space<vmem>>, vector<16xi32>,
    %get3A_94 = arith.constant 128 : index
    %get3A_95 = tpu.vector_load %arg6[%get3A_94] {strides = array<i32>} : memref<240xi32, #tpu.memory_space<vmem>>, vector<16xi32>,
    %get3A_96 = vector.shape_cast %get3A_95 : vector<16xi32> to vector<16xi32>
    %mul3A_97 = arith.constant 10000 : i32
    %mul3A_98 = vector.broadcast %mul3A_97 : i32 to vector<16xi32>
    %mul3A_99 = arith.muli %get3A_96, %mul3A_98 : vector<16xi32>
    %get3A_100 = arith.constant 48 : index
    %get3A_101 = tpu.vector_load %arg6[%get3A_100] {strides = array<i32>} : memref<240xi32, #tpu.memory_space<vmem>>, vector<16xi32>,
    %get3A_102 = vector.shape_cast %get3A_101 : vector<16xi32> to vector<16xi32>
    %add3A_103 = arith.addi %mul3A_99, %get3A_102 : vector<16xi32>
    %swap3A_104 = arith.constant 48 : index
    %swap3A_105 = tpu.vector_load %arg14[%swap3A_104] {strides = array<i32>} : memref<80xi32, #tpu.memory_space<vmem>>, vector<16xi32>,
    %swap3A_106 = vector.shape_cast %swap3A_105 : vector<16xi32> to vector<16xi32>
    %swap3A_107 = vector.shape_cast %add3A_103 : vector<16xi32> to vector<16xi32>
    tpu.vector_store %arg14[%swap3A_104], %swap3A_107 {strides = array<i32>} : memref<80xi32, #tpu.memory_space<vmem>>, vector<16xi32>,
    %get3A_108 = arith.constant 208 : index
    %get3A_109 = tpu.vector_load %arg6[%get3A_108] {strides = array<i32>} : memref<240xi32, #tpu.memory_space<vmem>>, vector<16xi32>,
    %get3A_110 = vector.shape_cast %get3A_109 : vector<16xi32> to vector<16xi32>
    %swap3A_111 = arith.constant 48 : index
    %swap3A_112 = tpu.vector_load %arg10[%swap3A_111] {strides = array<i32>} : memref<80xi32, #tpu.memory_space<vmem>>, vector<16xi32>,
    %swap3A_113 = vector.shape_cast %swap3A_112 : vector<16xi32> to vector<16xi32>
    %swap3A_114 = vector.shape_cast %get3A_110 : vector<16xi32> to vector<16xi32>
    tpu.vector_store %arg10[%swap3A_111], %swap3A_114 {strides = array<i32>} : memref<80xi32, #tpu.memory_space<vmem>>, vector<16xi32>,
    %get3A_115 = arith.constant 144 : index
    %get3A_116 = tpu.vector_load %arg6[%get3A_115] {strides = array<i32>} : memref<240xi32, #tpu.memory_space<vmem>>, vector<16xi32>,
    %get3A_117 = vector.shape_cast %get3A_116 : vector<16xi32> to vector<16xi32>
    %mul3A_118 = arith.constant 10000 : i32
    %mul3A_119 = vector.broadcast %mul3A_118 : i32 to vector<16xi32>
    %mul3A_120 = arith.muli %get3A_117, %mul3A_119 : vector<16xi32>
    %get3A_121 = arith.constant 64 : index
    %get3A_122 = tpu.vector_load %arg6[%get3A_121] {strides = array<i32>} : memref<240xi32, #tpu.memory_space<vmem>>, vector<16xi32>,
    %get3A_123 = vector.shape_cast %get3A_122 : vector<16xi32> to vector<16xi32>
    %add3A_124 = arith.addi %mul3A_120, %get3A_123 : vector<16xi32>
    %swap3A_125 = arith.constant 64 : index
    %swap3A_126 = tpu.vector_load %arg14[%swap3A_125] {strides = array<i32>} : memref<80xi32, #tpu.memory_space<vmem>>, vector<16xi32>,
    %swap3A_127 = vector.shape_cast %swap3A_126 : vector<16xi32> to vector<16xi32>
    %swap3A_128 = vector.shape_cast %add3A_124 : vector<16xi32> to vector<16xi32>
    tpu.vector_store %arg14[%swap3A_125], %swap3A_128 {strides = array<i32>} : memref<80xi32, #tpu.memory_space<vmem>>, vector<16xi32>,
    %get3A_129 = arith.constant 224 : index
    %get3A_130 = tpu.vector_load %arg6[%get3A_129] {strides = array<i32>} : memref<240xi32, #tpu.memory_space<vmem>>, vector<16xi32>,
    %get3A_131 = vector.shape_cast %get3A_130 : vector<16xi32> to vector<16xi32>
    %swap3A_132 = arith.constant 64 : index
    %swap3A_133 = tpu.vector_load %arg10[%swap3A_132] {strides = array<i32>} : memref<80xi32, #tpu.memory_space<vmem>>, vector<16xi32>,
    %swap3A_134 = vector.shape_cast %swap3A_133 : vector<16xi32> to vector<16xi32>
    %swap3A_135 = vector.shape_cast %get3A_131 : vector<16xi32> to vector<16xi32>
    tpu.vector_store %arg10[%swap3A_132], %swap3A_135 {strides = array<i32>} : memref<80xi32, #tpu.memory_space<vmem>>, vector<16xi32>,
    %dma_start3A_136 = arith.constant 0 : i32
    %dma_start3A_137 = arith.constant 0 : i32
    %dma_start3A_138 = tpu.memref_slice %arg2[%dma_start3A_136, %dma_start3A_137] : memref<80000x128xf32, #tpu.memory_space<hbm>> -> memref<80000x128xf32, #tpu.memory_space<hbm>>
    tpu.enqueue_indirect_dma source(%dma_start3A_138 : memref<80000x128xf32, #tpu.memory_space<hbm>>) target(%arg18 : memref<80x128xf32, #tpu.memory_space<vmem>>) offsets(%arg14 : memref<80xi32, #tpu.memory_space<vmem>>) semaphore(%arg23 : memref<!tpu.dma_semaphore, #tpu.memory_space<semaphore_mem>>)
    %add3A_139 = arith.constant 80 : i32
    %add3A_140 = arith.addi %mul3A_2, %add3A_139 : i32
    %mul3A_141 = arith.constant 3 : i32
    %mul3A_142 = arith.muli %add3A_140, %mul3A_141 : i32
    %dma_wait3A_143 = tpu.memref_slice %arg3[%mul3A_142] : memref<960000xi32, #tpu.memory_space<hbm>> -> memref<240xi32, #tpu.memory_space<hbm>>
    %dma_wait3A_144 = tpu.memref_slice %arg3[%mul3A_142] : memref<960000xi32, #tpu.memory_space<hbm>> -> memref<240xi32, #tpu.memory_space<hbm>>
    tpu.wait_dma2 semaphore(%arg28 : memref<!tpu.dma_semaphore, #tpu.memory_space<semaphore_mem>>) src(%dma_wait3A_144 : memref<240xi32, #tpu.memory_space<hbm>>) dst(%arg7 : memref<240xi32, #tpu.memory_space<vmem>>)
    %get3A_145 = arith.constant 80 : index
    %get3A_146 = tpu.vector_load %arg7[%get3A_145] {strides = array<i32>} : memref<240xi32, #tpu.memory_space<vmem>>, vector<16xi32>,
    %get3A_147 = vector.shape_cast %get3A_146 : vector<16xi32> to vector<16xi32>
    %mul3A_148 = arith.constant 10000 : i32
    %mul3A_149 = vector.broadcast %mul3A_148 : i32 to vector<16xi32>
    %mul3A_150 = arith.muli %get3A_147, %mul3A_149 : vector<16xi32>
    %get3A_151 = arith.constant 0 : index
    %get3A_152 = tpu.vector_load %arg7[%get3A_151] {strides = array<i32>} : memref<240xi32, #tpu.memory_space<vmem>>, vector<16xi32>,
    %get3A_153 = vector.shape_cast %get3A_152 : vector<16xi32> to vector<16xi32>
    %add3A_154 = arith.addi %mul3A_150, %get3A_153 : vector<16xi32>
    %swap3A_155 = arith.constant 0 : index
    %swap3A_156 = tpu.vector_load %arg15[%swap3A_155] {strides = array<i32>} : memref<80xi32, #tpu.memory_space<vmem>>, vector<16xi32>,
    %swap3A_157 = vector.shape_cast %swap3A_156 : vector<16xi32> to vector<16xi32>
    %swap3A_158 = vector.shape_cast %add3A_154 : vector<16xi32> to vector<16xi32>
    tpu.vector_store %arg15[%swap3A_155], %swap3A_158 {strides = array<i32>} : memref<80xi32, #tpu.memory_space<vmem>>, vector<16xi32>,
    %get3A_159 = arith.constant 160 : index
    %get3A_160 = tpu.vector_load %arg7[%get3A_159] {strides = array<i32>} : memref<240xi32, #tpu.memory_space<vmem>>, vector<16xi32>,
    %get3A_161 = vector.shape_cast %get3A_160 : vector<16xi32> to vector<16xi32>
    %swap3A_162 = arith.constant 0 : index
    %swap3A_163 = tpu.vector_load %arg11[%swap3A_162] {strides = array<i32>} : memref<80xi32, #tpu.memory_space<vmem>>, vector<16xi32>,
    %swap3A_164 = vector.shape_cast %swap3A_163 : vector<16xi32> to vector<16xi32>
    %swap3A_165 = vector.shape_cast %get3A_161 : vector<16xi32> to vector<16xi32>
    tpu.vector_store %arg11[%swap3A_162], %swap3A_165 {strides = array<i32>} : memref<80xi32, #tpu.memory_space<vmem>>, vector<16xi32>,
    %get3A_166 = arith.constant 96 : index
    %get3A_167 = tpu.vector_load %arg7[%get3A_166] {strides = array<i32>} : memref<240xi32, #tpu.memory_space<vmem>>, vector<16xi32>,
    %get3A_168 = vector.shape_cast %get3A_167 : vector<16xi32> to vector<16xi32>
    %mul3A_169 = arith.constant 10000 : i32
    %mul3A_170 = vector.broadcast %mul3A_169 : i32 to vector<16xi32>
    %mul3A_171 = arith.muli %get3A_168, %mul3A_170 : vector<16xi32>
    %get3A_172 = arith.constant 16 : index
    %get3A_173 = tpu.vector_load %arg7[%get3A_172] {strides = array<i32>} : memref<240xi32, #tpu.memory_space<vmem>>, vector<16xi32>,
    %get3A_174 = vector.shape_cast %get3A_173 : vector<16xi32> to vector<16xi32>
    %add3A_175 = arith.addi %mul3A_171, %get3A_174 : vector<16xi32>
    %swap3A_176 = arith.constant 16 : index
    %swap3A_177 = tpu.vector_load %arg15[%swap3A_176] {strides = array<i32>} : memref<80xi32, #tpu.memory_space<vmem>>, vector<16xi32>,
    %swap3A_178 = vector.shape_cast %swap3A_177 : vector<16xi32> to vector<16xi32>
    %swap3A_179 = vector.shape_cast %add3A_175 : vector<16xi32> to vector<16xi32>
    tpu.vector_store %arg15[%swap3A_176], %swap3A_179 {strides = array<i32>} : memref<80xi32, #tpu.memory_space<vmem>>, vector<16xi32>,
    %get3A_180 = arith.constant 176 : index
    %get3A_181 = tpu.vector_load %arg7[%get3A_180] {strides = array<i32>} : memref<240xi32, #tpu.memory_space<vmem>>, vector<16xi32>,
    %get3A_182 = vector.shape_cast %get3A_181 : vector<16xi32> to vector<16xi32>
    %swap3A_183 = arith.constant 16 : index
    %swap3A_184 = tpu.vector_load %arg11[%swap3A_183] {strides = array<i32>} : memref<80xi32, #tpu.memory_space<vmem>>, vector<16xi32>,
    %swap3A_185 = vector.shape_cast %swap3A_184 : vector<16xi32> to vector<16xi32>
    %swap3A_186 = vector.shape_cast %get3A_182 : vector<16xi32> to vector<16xi32>
    tpu.vector_store %arg11[%swap3A_183], %swap3A_186 {strides = array<i32>} : memref<80xi32, #tpu.memory_space<vmem>>, vector<16xi32>,
    %get3A_187 = arith.constant 112 : index
    %get3A_188 = tpu.vector_load %arg7[%get3A_187] {strides = array<i32>} : memref<240xi32, #tpu.memory_space<vmem>>, vector<16xi32>,
    %get3A_189 = vector.shape_cast %get3A_188 : vector<16xi32> to vector<16xi32>
    %mul3A_190 = arith.constant 10000 : i32
    %mul3A_191 = vector.broadcast %mul3A_190 : i32 to vector<16xi32>
    %mul3A_192 = arith.muli %get3A_189, %mul3A_191 : vector<16xi32>
    %get3A_193 = arith.constant 32 : index
    %get3A_194 = tpu.vector_load %arg7[%get3A_193] {strides = array<i32>} : memref<240xi32, #tpu.memory_space<vmem>>, vector<16xi32>,
    %get3A_195 = vector.shape_cast %get3A_194 : vector<16xi32> to vector<16xi32>
    %add3A_196 = arith.addi %mul3A_192, %get3A_195 : vector<16xi32>
    %swap3A_197 = arith.constant 32 : index
    %swap3A_198 = tpu.vector_load %arg15[%swap3A_197] {strides = array<i32>} : memref<80xi32, #tpu.memory_space<vmem>>, vector<16xi32>,
    %swap3A_199 = vector.shape_cast %swap3A_198 : vector<16xi32> to vector<16xi32>
    %swap3A_200 = vector.shape_cast %add3A_196 : vector<16xi32> to vector<16xi32>
    tpu.vector_store %arg15[%swap3A_197], %swap3A_200 {strides = array<i32>} : memref<80xi32, #tpu.memory_space<vmem>>, vector<16xi32>,
    %get3A_201 = arith.constant 192 : index
    %get3A_202 = tpu.vector_load %arg7[%get3A_201] {strides = array<i32>} : memref<240xi32, #tpu.memory_space<vmem>>, vector<16xi32>,
    %get3A_203 = vector.shape_cast %get3A_202 : vector<16xi32> to vector<16xi32>
    %swap3A_204 = arith.constant 32 : index
    %swap3A_205 = tpu.vector_load %arg11[%swap3A_204] {strides = array<i32>} : memref<80xi32, #tpu.memory_space<vmem>>, vector<16xi32>,
    %swap3A_206 = vector.shape_cast %swap3A_205 : vector<16xi32> to vector<16xi32>
    %swap3A_207 = vector.shape_cast %get3A_203 : vector<16xi32> to vector<16xi32>
    tpu.vector_store %arg11[%swap3A_204], %swap3A_207 {strides = array<i32>} : memref<80xi32, #tpu.memory_space<vmem>>, vector<16xi32>,
    %get3A_208 = arith.constant 128 : index
    %get3A_209 = tpu.vector_load %arg7[%get3A_208] {strides = array<i32>} : memref<240xi32, #tpu.memory_space<vmem>>, vector<16xi32>,
    %get3A_210 = vector.shape_cast %get3A_209 : vector<16xi32> to vector<16xi32>
    %mul3A_211 = arith.constant 10000 : i32
    %mul3A_212 = vector.broadcast %mul3A_211 : i32 to vector<16xi32>
    %mul3A_213 = arith.muli %get3A_210, %mul3A_212 : vector<16xi32>
    %get3A_214 = arith.constant 48 : index
    %get3A_215 = tpu.vector_load %arg7[%get3A_214] {strides = array<i32>} : memref<240xi32, #tpu.memory_space<vmem>>, vector<16xi32>,
    %get3A_216 = vector.shape_cast %get3A_215 : vector<16xi32> to vector<16xi32>
    %add3A_217 = arith.addi %mul3A_213, %get3A_216 : vector<16xi32>
    %swap3A_218 = arith.constant 48 : index
    %swap3A_219 = tpu.vector_load %arg15[%swap3A_218] {strides = array<i32>} : memref<80xi32, #tpu.memory_space<vmem>>, vector<16xi32>,
    %swap3A_220 = vector.shape_cast %swap3A_219 : vector<16xi32> to vector<16xi32>
    %swap3A_221 = vector.shape_cast %add3A_217 : vector<16xi32> to vector<16xi32>
    tpu.vector_store %arg15[%swap3A_218], %swap3A_221 {strides = array<i32>} : memref<80xi32, #tpu.memory_space<vmem>>, vector<16xi32>,
    %get3A_222 = arith.constant 208 : index
    %get3A_223 = tpu.vector_load %arg7[%get3A_222] {strides = array<i32>} : memref<240xi32, #tpu.memory_space<vmem>>, vector<16xi32>,
    %get3A_224 = vector.shape_cast %get3A_223 : vector<16xi32> to vector<16xi32>
    %swap3A_225 = arith.constant 48 : index
    %swap3A_226 = tpu.vector_load %arg11[%swap3A_225] {strides = array<i32>} : memref<80xi32, #tpu.memory_space<vmem>>, vector<16xi32>,
    %swap3A_227 = vector.shape_cast %swap3A_226 : vector<16xi32> to vector<16xi32>
    %swap3A_228 = vector.shape_cast %get3A_224 : vector<16xi32> to vector<16xi32>
    tpu.vector_store %arg11[%swap3A_225], %swap3A_228 {strides = array<i32>} : memref<80xi32, #tpu.memory_space<vmem>>, vector<16xi32>,
    %get3A_229 = arith.constant 144 : index
    %get3A_230 = tpu.vector_load %arg7[%get3A_229] {strides = array<i32>} : memref<240xi32, #tpu.memory_space<vmem>>, vector<16xi32>,
    %get3A_231 = vector.shape_cast %get3A_230 : vector<16xi32> to vector<16xi32>
    %mul3A_232 = arith.constant 10000 : i32
    %mul3A_233 = vector.broadcast %mul3A_232 : i32 to vector<16xi32>
    %mul3A_234 = arith.muli %get3A_231, %mul3A_233 : vector<16xi32>
    %get3A_235 = arith.constant 64 : index
    %get3A_236 = tpu.vector_load %arg7[%get3A_235] {strides = array<i32>} : memref<240xi32, #tpu.memory_space<vmem>>, vector<16xi32>,
    %get3A_237 = vector.shape_cast %get3A_236 : vector<16xi32> to vector<16xi32>
    %add3A_238 = arith.addi %mul3A_234, %get3A_237 : vector<16xi32>
    %swap3A_239 = arith.constant 64 : index
    %swap3A_240 = tpu.vector_load %arg15[%swap3A_239] {strides = array<i32>} : memref<80xi32, #tpu.memory_space<vmem>>, vector<16xi32>,
    %swap3A_241 = vector.shape_cast %swap3A_240 : vector<16xi32> to vector<16xi32>
    %swap3A_242 = vector.shape_cast %add3A_238 : vector<16xi32> to vector<16xi32>
    tpu.vector_store %arg15[%swap3A_239], %swap3A_242 {strides = array<i32>} : memref<80xi32, #tpu.memory_space<vmem>>, vector<16xi32>,
    %get3A_243 = arith.constant 224 : index
    %get3A_244 = tpu.vector_load %arg7[%get3A_243] {strides = array<i32>} : memref<240xi32, #tpu.memory_space<vmem>>, vector<16xi32>,
    %get3A_245 = vector.shape_cast %get3A_244 : vector<16xi32> to vector<16xi32>
    %swap3A_246 = arith.constant 64 : index
    %swap3A_247 = tpu.vector_load %arg11[%swap3A_246] {strides = array<i32>} : memref<80xi32, #tpu.memory_space<vmem>>, vector<16xi32>,
    %swap3A_248 = vector.shape_cast %swap3A_247 : vector<16xi32> to vector<16xi32>
    %swap3A_249 = vector.shape_cast %get3A_245 : vector<16xi32> to vector<16xi32>
    tpu.vector_store %arg11[%swap3A_246], %swap3A_249 {strides = array<i32>} : memref<80xi32, #tpu.memory_space<vmem>>, vector<16xi32>,
    %dma_start3A_250 = arith.constant 0 : i32
    %dma_start3A_251 = arith.constant 0 : i32
    %dma_start3A_252 = tpu.memref_slice %arg2[%dma_start3A_250, %dma_start3A_251] : memref<80000x128xf32, #tpu.memory_space<hbm>> -> memref<80000x128xf32, #tpu.memory_space<hbm>>
    tpu.enqueue_indirect_dma source(%dma_start3A_252 : memref<80000x128xf32, #tpu.memory_space<hbm>>) target(%arg19 : memref<80x128xf32, #tpu.memory_space<vmem>>) offsets(%arg15 : memref<80xi32, #tpu.memory_space<vmem>>) semaphore(%arg24 : memref<!tpu.dma_semaphore, #tpu.memory_space<semaphore_mem>>)
    %add3A_253 = arith.constant 160 : i32
    %add3A_254 = arith.addi %mul3A_2, %add3A_253 : i32
    %mul3A_255 = arith.constant 3 : i32
    %mul3A_256 = arith.muli %add3A_254, %mul3A_255 : i32
    %dma_wait3A_257 = tpu.memref_slice %arg3[%mul3A_256] : memref<960000xi32, #tpu.memory_space<hbm>> -> memref<240xi32, #tpu.memory_space<hbm>>
    %dma_wait3A_258 = tpu.memref_slice %arg3[%mul3A_256] : memref<960000xi32, #tpu.memory_space<hbm>> -> memref<240xi32, #tpu.memory_space<hbm>>
    tpu.wait_dma2 semaphore(%arg29 : memref<!tpu.dma_semaphore, #tpu.memory_space<semaphore_mem>>) src(%dma_wait3A_258 : memref<240xi32, #tpu.memory_space<hbm>>) dst(%arg8 : memref<240xi32, #tpu.memory_space<vmem>>)
    %get3A_259 = arith.constant 80 : index
    %get3A_260 = tpu.vector_load %arg8[%get3A_259] {strides = array<i32>} : memref<240xi32, #tpu.memory_space<vmem>>, vector<16xi32>,
    %get3A_261 = vector.shape_cast %get3A_260 : vector<16xi32> to vector<16xi32>
    %mul3A_262 = arith.constant 10000 : i32
    %mul3A_263 = vector.broadcast %mul3A_262 : i32 to vector<16xi32>
    %mul3A_264 = arith.muli %get3A_261, %mul3A_263 : vector<16xi32>
    %get3A_265 = arith.constant 0 : index
    %get3A_266 = tpu.vector_load %arg8[%get3A_265] {strides = array<i32>} : memref<240xi32, #tpu.memory_space<vmem>>, vector<16xi32>,
    %get3A_267 = vector.shape_cast %get3A_266 : vector<16xi32> to vector<16xi32>
    %add3A_268 = arith.addi %mul3A_264, %get3A_267 : vector<16xi32>
    %swap3A_269 = arith.constant 0 : index
    %swap3A_270 = tpu.vector_load %arg16[%swap3A_269] {strides = array<i32>} : memref<80xi32, #tpu.memory_space<vmem>>, vector<16xi32>,
    %swap3A_271 = vector.shape_cast %swap3A_270 : vector<16xi32> to vector<16xi32>
    %swap3A_272 = vector.shape_cast %add3A_268 : vector<16xi32> to vector<16xi32>
    tpu.vector_store %arg16[%swap3A_269], %swap3A_272 {strides = array<i32>} : memref<80xi32, #tpu.memory_space<vmem>>, vector<16xi32>,
    %get3A_273 = arith.constant 160 : index
    %get3A_274 = tpu.vector_load %arg8[%get3A_273] {strides = array<i32>} : memref<240xi32, #tpu.memory_space<vmem>>, vector<16xi32>,
    %get3A_275 = vector.shape_cast %get3A_274 : vector<16xi32> to vector<16xi32>
    %swap3A_276 = arith.constant 0 : index
    %swap3A_277 = tpu.vector_load %arg12[%swap3A_276] {strides = array<i32>} : memref<80xi32, #tpu.memory_space<vmem>>, vector<16xi32>,
    %swap3A_278 = vector.shape_cast %swap3A_277 : vector<16xi32> to vector<16xi32>
    %swap3A_279 = vector.shape_cast %get3A_275 : vector<16xi32> to vector<16xi32>
    tpu.vector_store %arg12[%swap3A_276], %swap3A_279 {strides = array<i32>} : memref<80xi32, #tpu.memory_space<vmem>>, vector<16xi32>,
    %get3A_280 = arith.constant 96 : index
    %get3A_281 = tpu.vector_load %arg8[%get3A_280] {strides = array<i32>} : memref<240xi32, #tpu.memory_space<vmem>>, vector<16xi32>,
    %get3A_282 = vector.shape_cast %get3A_281 : vector<16xi32> to vector<16xi32>
    %mul3A_283 = arith.constant 10000 : i32
    %mul3A_284 = vector.broadcast %mul3A_283 : i32 to vector<16xi32>
    %mul3A_285 = arith.muli %get3A_282, %mul3A_284 : vector<16xi32>
    %get3A_286 = arith.constant 16 : index
    %get3A_287 = tpu.vector_load %arg8[%get3A_286] {strides = array<i32>} : memref<240xi32, #tpu.memory_space<vmem>>, vector<16xi32>,
    %get3A_288 = vector.shape_cast %get3A_287 : vector<16xi32> to vector<16xi32>
    %add3A_289 = arith.addi %mul3A_285, %get3A_288 : vector<16xi32>
    %swap3A_290 = arith.constant 16 : index
    %swap3A_291 = tpu.vector_load %arg16[%swap3A_290] {strides = array<i32>} : memref<80xi32, #tpu.memory_space<vmem>>, vector<16xi32>,
    %swap3A_292 = vector.shape_cast %swap3A_291 : vector<16xi32> to vector<16xi32>
    %swap3A_293 = vector.shape_cast %add3A_289 : vector<16xi32> to vector<16xi32>
    tpu.vector_store %arg16[%swap3A_290], %swap3A_293 {strides = array<i32>} : memref<80xi32, #tpu.memory_space<vmem>>, vector<16xi32>,
    %get3A_294 = arith.constant 176 : index
    %get3A_295 = tpu.vector_load %arg8[%get3A_294] {strides = array<i32>} : memref<240xi32, #tpu.memory_space<vmem>>, vector<16xi32>,
    %get3A_296 = vector.shape_cast %get3A_295 : vector<16xi32> to vector<16xi32>
    %swap3A_297 = arith.constant 16 : index
    %swap3A_298 = tpu.vector_load %arg12[%swap3A_297] {strides = array<i32>} : memref<80xi32, #tpu.memory_space<vmem>>, vector<16xi32>,
    %swap3A_299 = vector.shape_cast %swap3A_298 : vector<16xi32> to vector<16xi32>
    %swap3A_300 = vector.shape_cast %get3A_296 : vector<16xi32> to vector<16xi32>
    tpu.vector_store %arg12[%swap3A_297], %swap3A_300 {strides = array<i32>} : memref<80xi32, #tpu.memory_space<vmem>>, vector<16xi32>,
    %get3A_301 = arith.constant 112 : index
    %get3A_302 = tpu.vector_load %arg8[%get3A_301] {strides = array<i32>} : memref<240xi32, #tpu.memory_space<vmem>>, vector<16xi32>,
    %get3A_303 = vector.shape_cast %get3A_302 : vector<16xi32> to vector<16xi32>
    %mul3A_304 = arith.constant 10000 : i32
    %mul3A_305 = vector.broadcast %mul3A_304 : i32 to vector<16xi32>
    %mul3A_306 = arith.muli %get3A_303, %mul3A_305 : vector<16xi32>
    %get3A_307 = arith.constant 32 : index
    %get3A_308 = tpu.vector_load %arg8[%get3A_307] {strides = array<i32>} : memref<240xi32, #tpu.memory_space<vmem>>, vector<16xi32>,
    %get3A_309 = vector.shape_cast %get3A_308 : vector<16xi32> to vector<16xi32>
    %add3A_310 = arith.addi %mul3A_306, %get3A_309 : vector<16xi32>
    %swap3A_311 = arith.constant 32 : index
    %swap3A_312 = tpu.vector_load %arg16[%swap3A_311] {strides = array<i32>} : memref<80xi32, #tpu.memory_space<vmem>>, vector<16xi32>,
    %swap3A_313 = vector.shape_cast %swap3A_312 : vector<16xi32> to vector<16xi32>
    %swap3A_314 = vector.shape_cast %add3A_310 : vector<16xi32> to vector<16xi32>
    tpu.vector_store %arg16[%swap3A_311], %swap3A_314 {strides = array<i32>} : memref<80xi32, #tpu.memory_space<vmem>>, vector<16xi32>,
    %get3A_315 = arith.constant 192 : index
    %get3A_316 = tpu.vector_load %arg8[%get3A_315] {strides = array<i32>} : memref<240xi32, #tpu.memory_space<vmem>>, vector<16xi32>,
    %get3A_317 = vector.shape_cast %get3A_316 : vector<16xi32> to vector<16xi32>
    %swap3A_318 = arith.constant 32 : index
    %swap3A_319 = tpu.vector_load %arg12[%swap3A_318] {strides = array<i32>} : memref<80xi32, #tpu.memory_space<vmem>>, vector<16xi32>,
    %swap3A_320 = vector.shape_cast %swap3A_319 : vector<16xi32> to vector<16xi32>
    %swap3A_321 = vector.shape_cast %get3A_317 : vector<16xi32> to vector<16xi32>
    tpu.vector_store %arg12[%swap3A_318], %swap3A_321 {strides = array<i32>} : memref<80xi32, #tpu.memory_space<vmem>>, vector<16xi32>,
    %get3A_322 = arith.constant 128 : index
    %get3A_323 = tpu.vector_load %arg8[%get3A_322] {strides = array<i32>} : memref<240xi32, #tpu.memory_space<vmem>>, vector<16xi32>,
    %get3A_324 = vector.shape_cast %get3A_323 : vector<16xi32> to vector<16xi32>
    %mul3A_325 = arith.constant 10000 : i32
    %mul3A_326 = vector.broadcast %mul3A_325 : i32 to vector<16xi32>
    %mul3A_327 = arith.muli %get3A_324, %mul3A_326 : vector<16xi32>
    %get3A_328 = arith.constant 48 : index
    %get3A_329 = tpu.vector_load %arg8[%get3A_328] {strides = array<i32>} : memref<240xi32, #tpu.memory_space<vmem>>, vector<16xi32>,
    %get3A_330 = vector.shape_cast %get3A_329 : vector<16xi32> to vector<16xi32>
    %add3A_331 = arith.addi %mul3A_327, %get3A_330 : vector<16xi32>
    %swap3A_332 = arith.constant 48 : index
    %swap3A_333 = tpu.vector_load %arg16[%swap3A_332] {strides = array<i32>} : memref<80xi32, #tpu.memory_space<vmem>>, vector<16xi32>,
    %swap3A_334 = vector.shape_cast %swap3A_333 : vector<16xi32> to vector<16xi32>
    %swap3A_335 = vector.shape_cast %add3A_331 : vector<16xi32> to vector<16xi32>
    tpu.vector_store %arg16[%swap3A_332], %swap3A_335 {strides = array<i32>} : memref<80xi32, #tpu.memory_space<vmem>>, vector<16xi32>,
    %get3A_336 = arith.constant 208 : index
    %get3A_337 = tpu.vector_load %arg8[%get3A_336] {strides = array<i32>} : memref<240xi32, #tpu.memory_space<vmem>>, vector<16xi32>,
    %get3A_338 = vector.shape_cast %get3A_337 : vector<16xi32> to vector<16xi32>
    %swap3A_339 = arith.constant 48 : index
    %swap3A_340 = tpu.vector_load %arg12[%swap3A_339] {strides = array<i32>} : memref<80xi32, #tpu.memory_space<vmem>>, vector<16xi32>,
    %swap3A_341 = vector.shape_cast %swap3A_340 : vector<16xi32> to vector<16xi32>
    %swap3A_342 = vector.shape_cast %get3A_338 : vector<16xi32> to vector<16xi32>
    tpu.vector_store %arg12[%swap3A_339], %swap3A_342 {strides = array<i32>} : memref<80xi32, #tpu.memory_space<vmem>>, vector<16xi32>,
    %get3A_343 = arith.constant 144 : index
    %get3A_344 = tpu.vector_load %arg8[%get3A_343] {strides = array<i32>} : memref<240xi32, #tpu.memory_space<vmem>>, vector<16xi32>,
    %get3A_345 = vector.shape_cast %get3A_344 : vector<16xi32> to vector<16xi32>
    %mul3A_346 = arith.constant 10000 : i32
    %mul3A_347 = vector.broadcast %mul3A_346 : i32 to vector<16xi32>
    %mul3A_348 = arith.muli %get3A_345, %mul3A_347 : vector<16xi32>
    %get3A_349 = arith.constant 64 : index
    %get3A_350 = tpu.vector_load %arg8[%get3A_349] {strides = array<i32>} : memref<240xi32, #tpu.memory_space<vmem>>, vector<16xi32>,
    %get3A_351 = vector.shape_cast %get3A_350 : vector<16xi32> to vector<16xi32>
    %add3A_352 = arith.addi %mul3A_348, %get3A_351 : vector<16xi32>
    %swap3A_353 = arith.constant 64 : index
    %swap3A_354 = tpu.vector_load %arg16[%swap3A_353] {strides = array<i32>} : memref<80xi32, #tpu.memory_space<vmem>>, vector<16xi32>,
    %swap3A_355 = vector.shape_cast %swap3A_354 : vector<16xi32> to vector<16xi32>
    %swap3A_356 = vector.shape_cast %add3A_352 : vector<16xi32> to vector<16xi32>
    tpu.vector_store %arg16[%swap3A_353], %swap3A_356 {strides = array<i32>} : memref<80xi32, #tpu.memory_space<vmem>>, vector<16xi32>,
    %get3A_357 = arith.constant 224 : index
    %get3A_358 = tpu.vector_load %arg8[%get3A_357] {strides = array<i32>} : memref<240xi32, #tpu.memory_space<vmem>>, vector<16xi32>,
    %get3A_359 = vector.shape_cast %get3A_358 : vector<16xi32> to vector<16xi32>
    %swap3A_360 = arith.constant 64 : index
    %swap3A_361 = tpu.vector_load %arg12[%swap3A_360] {strides = array<i32>} : memref<80xi32, #tpu.memory_space<vmem>>, vector<16xi32>,
    %swap3A_362 = vector.shape_cast %swap3A_361 : vector<16xi32> to vector<16xi32>
    %swap3A_363 = vector.shape_cast %get3A_359 : vector<16xi32> to vector<16xi32>
    tpu.vector_store %arg12[%swap3A_360], %swap3A_363 {strides = array<i32>} : memref<80xi32, #tpu.memory_space<vmem>>, vector<16xi32>,
    %dma_start3A_364 = arith.constant 0 : i32
    %dma_start3A_365 = arith.constant 0 : i32
    %dma_start3A_366 = tpu.memref_slice %arg2[%dma_start3A_364, %dma_start3A_365] : memref<80000x128xf32, #tpu.memory_space<hbm>> -> memref<80000x128xf32, #tpu.memory_space<hbm>>
    tpu.enqueue_indirect_dma source(%dma_start3A_366 : memref<80000x128xf32, #tpu.memory_space<hbm>>) target(%arg20 : memref<80x128xf32, #tpu.memory_space<vmem>>) offsets(%arg16 : memref<80xi32, #tpu.memory_space<vmem>>) semaphore(%arg25 : memref<!tpu.dma_semaphore, #tpu.memory_space<semaphore_mem>>)
    %scan3A = arith.constant 0 : i32
    %scan3A_367 = arith.constant 30 : i32
    %scan3A_368 = arith.addi %scan3A, %scan3A_367 : i32
    %scan3A_369 = arith.constant 1 : i32
    scf.for %scan3A_659 = %scan3A to %scan3A_368 step %scan3A_369  : i32 {
      %mul3A_660 = arith.constant 4 : i32
      %mul3A_661 = arith.muli %mul3A_660, %scan3A_659 : i32
      %add3A_662 = arith.constant 0 : i32
      %add3A_663 = arith.addi %mul3A_661, %add3A_662 : i32
      %add3A_664 = arith.constant 4 : i32
      %add3A_665 = arith.addi %add3A_663, %add3A_664 : i32
      %mul3A_666 = arith.constant 80 : i32
      %mul3A_667 = arith.muli %add3A_665, %mul3A_666 : i32
      %add3A_668 = arith.addi %mul3A_2, %mul3A_667 : i32
      %mul3A_669 = arith.constant 3 : i32
      %mul3A_670 = arith.muli %add3A_668, %mul3A_669 : i32
      %dma_start3A_671 = tpu.memref_slice %arg3[%mul3A_670] : memref<960000xi32, #tpu.memory_space<hbm>> -> memref<240xi32, #tpu.memory_space<hbm>>
      %dma_start3A_672 = tpu.memref_slice %arg3[%mul3A_670] : memref<960000xi32, #tpu.memory_space<hbm>> -> memref<240xi32, #tpu.memory_space<hbm>>
      tpu.enqueue_dma source(%dma_start3A_672 : memref<240xi32, #tpu.memory_space<hbm>>) target(%arg6 : memref<240xi32, #tpu.memory_space<vmem>>) target_semaphore(%arg27 : memref<!tpu.dma_semaphore, #tpu.memory_space<semaphore_mem>>)
      %add3A_673 = arith.constant 0 : i32
      %add3A_674 = arith.addi %mul3A_661, %add3A_673 : i32
      %add3A_675 = arith.constant 3 : i32
      %add3A_676 = arith.addi %add3A_674, %add3A_675 : i32
      %gt3A = arith.constant 0 : i32
      %gt3A_677 = arith.cmpi sgt, %scan3A_659, %gt3A : i32
      %mul3A_678 = arith.constant 80 : i32
      %mul3A_679 = arith.muli %add3A_676, %mul3A_678 : i32
      %add3A_680 = arith.addi %mul3A_2, %mul3A_679 : i32
      %mul3A_681 = arith.constant 3 : i32
      %mul3A_682 = arith.muli %add3A_680, %mul3A_681 : i32
      %dma_wait3A_683 = tpu.memref_slice %arg3[%mul3A_682] : memref<960000xi32, #tpu.memory_space<hbm>> -> memref<240xi32, #tpu.memory_space<hbm>>
      %dma_wait3A_684 = tpu.memref_slice %arg3[%mul3A_682] : memref<960000xi32, #tpu.memory_space<hbm>> -> memref<240xi32, #tpu.memory_space<hbm>>
      tpu.wait_dma2 semaphore(%arg30 : memref<!tpu.dma_semaphore, #tpu.memory_space<semaphore_mem>>) src(%dma_wait3A_684 : memref<240xi32, #tpu.memory_space<hbm>>) dst(%arg9 : memref<240xi32, #tpu.memory_space<vmem>>)
      %convert_element_type3A = arith.extui %gt3A_677 : i1 to i32
      %cond3A = arith.constant 0 : i32
      %cond3A_685 = arith.cmpi ne, %convert_element_type3A, %cond3A : i32
      scf.if %cond3A_685 {
        %dma_wait3A_1217 = arith.constant 0 : i32
        %dma_wait3A_1218 = arith.constant 0 : i32
        %dma_wait3A_1219 = tpu.memref_slice %arg22[%dma_wait3A_1217, %dma_wait3A_1218] : memref<10112x128xf32, #tpu.memory_space<vmem_shared>> -> memref<10112x128xf32, #tpu.memory_space<vmem_shared>>
        tpu.wait_indirect_dma semaphore(%arg34 : memref<!tpu.dma_semaphore, #tpu.memory_space<semaphore_mem>>) src(%arg21 : memref<80x128xf32, #tpu.memory_space<vmem>>) dst(%dma_wait3A_1219 : memref<10112x128xf32, #tpu.memory_space<vmem_shared>>)
      } else {
      }
      %get3A_686 = arith.constant 80 : index
      %get3A_687 = tpu.vector_load %arg9[%get3A_686] {strides = array<i32>} : memref<240xi32, #tpu.memory_space<vmem>>, vector<16xi32>,
      %get3A_688 = vector.shape_cast %get3A_687 : vector<16xi32> to vector<16xi32>
      %mul3A_689 = arith.constant 10000 : i32
      %mul3A_690 = vector.broadcast %mul3A_689 : i32 to vector<16xi32>
      %mul3A_691 = arith.muli %get3A_688, %mul3A_690 : vector<16xi32>
      %get3A_692 = arith.constant 0 : index
      %get3A_693 = tpu.vector_load %arg9[%get3A_692] {strides = array<i32>} : memref<240xi32, #tpu.memory_space<vmem>>, vector<16xi32>,
      %get3A_694 = vector.shape_cast %get3A_693 : vector<16xi32> to vector<16xi32>
      %add3A_695 = arith.addi %mul3A_691, %get3A_694 : vector<16xi32>
      %swap3A_696 = arith.constant 0 : index
      %swap3A_697 = tpu.vector_load %arg17[%swap3A_696] {strides = array<i32>} : memref<80xi32, #tpu.memory_space<vmem>>, vector<16xi32>,
      %swap3A_698 = vector.shape_cast %swap3A_697 : vector<16xi32> to vector<16xi32>
      %swap3A_699 = vector.shape_cast %add3A_695 : vector<16xi32> to vector<16xi32>
      tpu.vector_store %arg17[%swap3A_696], %swap3A_699 {strides = array<i32>} : memref<80xi32, #tpu.memory_space<vmem>>, vector<16xi32>,
      %get3A_700 = arith.constant 160 : index
      %get3A_701 = tpu.vector_load %arg9[%get3A_700] {strides = array<i32>} : memref<240xi32, #tpu.memory_space<vmem>>, vector<16xi32>,
      %get3A_702 = vector.shape_cast %get3A_701 : vector<16xi32> to vector<16xi32>
      %swap3A_703 = arith.constant 0 : index
      %swap3A_704 = tpu.vector_load %arg13[%swap3A_703] {strides = array<i32>} : memref<80xi32, #tpu.memory_space<vmem>>, vector<16xi32>,
      %swap3A_705 = vector.shape_cast %swap3A_704 : vector<16xi32> to vector<16xi32>
      %swap3A_706 = vector.shape_cast %get3A_702 : vector<16xi32> to vector<16xi32>
      tpu.vector_store %arg13[%swap3A_703], %swap3A_706 {strides = array<i32>} : memref<80xi32, #tpu.memory_space<vmem>>, vector<16xi32>,
      %get3A_707 = arith.constant 96 : index
      %get3A_708 = tpu.vector_load %arg9[%get3A_707] {strides = array<i32>} : memref<240xi32, #tpu.memory_space<vmem>>, vector<16xi32>,
      %get3A_709 = vector.shape_cast %get3A_708 : vector<16xi32> to vector<16xi32>
      %mul3A_710 = arith.constant 10000 : i32
      %mul3A_711 = vector.broadcast %mul3A_710 : i32 to vector<16xi32>
      %mul3A_712 = arith.muli %get3A_709, %mul3A_711 : vector<16xi32>
      %get3A_713 = arith.constant 16 : index
      %get3A_714 = tpu.vector_load %arg9[%get3A_713] {strides = array<i32>} : memref<240xi32, #tpu.memory_space<vmem>>, vector<16xi32>,
      %get3A_715 = vector.shape_cast %get3A_714 : vector<16xi32> to vector<16xi32>
      %add3A_716 = arith.addi %mul3A_712, %get3A_715 : vector<16xi32>
      %swap3A_717 = arith.constant 16 : index
      %swap3A_718 = tpu.vector_load %arg17[%swap3A_717] {strides = array<i32>} : memref<80xi32, #tpu.memory_space<vmem>>, vector<16xi32>,
      %swap3A_719 = vector.shape_cast %swap3A_718 : vector<16xi32> to vector<16xi32>
      %swap3A_720 = vector.shape_cast %add3A_716 : vector<16xi32> to vector<16xi32>
      tpu.vector_store %arg17[%swap3A_717], %swap3A_720 {strides = array<i32>} : memref<80xi32, #tpu.memory_space<vmem>>, vector<16xi32>,
      %get3A_721 = arith.constant 176 : index
      %get3A_722 = tpu.vector_load %arg9[%get3A_721] {strides = array<i32>} : memref<240xi32, #tpu.memory_space<vmem>>, vector<16xi32>,
      %get3A_723 = vector.shape_cast %get3A_722 : vector<16xi32> to vector<16xi32>
      %swap3A_724 = arith.constant 16 : index
      %swap3A_725 = tpu.vector_load %arg13[%swap3A_724] {strides = array<i32>} : memref<80xi32, #tpu.memory_space<vmem>>, vector<16xi32>,
      %swap3A_726 = vector.shape_cast %swap3A_725 : vector<16xi32> to vector<16xi32>
      %swap3A_727 = vector.shape_cast %get3A_723 : vector<16xi32> to vector<16xi32>
      tpu.vector_store %arg13[%swap3A_724], %swap3A_727 {strides = array<i32>} : memref<80xi32, #tpu.memory_space<vmem>>, vector<16xi32>,
      %get3A_728 = arith.constant 112 : index
      %get3A_729 = tpu.vector_load %arg9[%get3A_728] {strides = array<i32>} : memref<240xi32, #tpu.memory_space<vmem>>, vector<16xi32>,
      %get3A_730 = vector.shape_cast %get3A_729 : vector<16xi32> to vector<16xi32>
      %mul3A_731 = arith.constant 10000 : i32
      %mul3A_732 = vector.broadcast %mul3A_731 : i32 to vector<16xi32>
      %mul3A_733 = arith.muli %get3A_730, %mul3A_732 : vector<16xi32>
      %get3A_734 = arith.constant 32 : index
      %get3A_735 = tpu.vector_load %arg9[%get3A_734] {strides = array<i32>} : memref<240xi32, #tpu.memory_space<vmem>>, vector<16xi32>,
      %get3A_736 = vector.shape_cast %get3A_735 : vector<16xi32> to vector<16xi32>
      %add3A_737 = arith.addi %mul3A_733, %get3A_736 : vector<16xi32>
      %swap3A_738 = arith.constant 32 : index
      %swap3A_739 = tpu.vector_load %arg17[%swap3A_738] {strides = array<i32>} : memref<80xi32, #tpu.memory_space<vmem>>, vector<16xi32>,
      %swap3A_740 = vector.shape_cast %swap3A_739 : vector<16xi32> to vector<16xi32>
      %swap3A_741 = vector.shape_cast %add3A_737 : vector<16xi32> to vector<16xi32>
      tpu.vector_store %arg17[%swap3A_738], %swap3A_741 {strides = array<i32>} : memref<80xi32, #tpu.memory_space<vmem>>, vector<16xi32>,
      %get3A_742 = arith.constant 192 : index
      %get3A_743 = tpu.vector_load %arg9[%get3A_742] {strides = array<i32>} : memref<240xi32, #tpu.memory_space<vmem>>, vector<16xi32>,
      %get3A_744 = vector.shape_cast %get3A_743 : vector<16xi32> to vector<16xi32>
      %swap3A_745 = arith.constant 32 : index
      %swap3A_746 = tpu.vector_load %arg13[%swap3A_745] {strides = array<i32>} : memref<80xi32, #tpu.memory_space<vmem>>, vector<16xi32>,
      %swap3A_747 = vector.shape_cast %swap3A_746 : vector<16xi32> to vector<16xi32>
      %swap3A_748 = vector.shape_cast %get3A_744 : vector<16xi32> to vector<16xi32>
      tpu.vector_store %arg13[%swap3A_745], %swap3A_748 {strides = array<i32>} : memref<80xi32, #tpu.memory_space<vmem>>, vector<16xi32>,
      %get3A_749 = arith.constant 128 : index
      %get3A_750 = tpu.vector_load %arg9[%get3A_749] {strides = array<i32>} : memref<240xi32, #tpu.memory_space<vmem>>, vector<16xi32>,
      %get3A_751 = vector.shape_cast %get3A_750 : vector<16xi32> to vector<16xi32>
      %mul3A_752 = arith.constant 10000 : i32
      %mul3A_753 = vector.broadcast %mul3A_752 : i32 to vector<16xi32>
      %mul3A_754 = arith.muli %get3A_751, %mul3A_753 : vector<16xi32>
      %get3A_755 = arith.constant 48 : index
      %get3A_756 = tpu.vector_load %arg9[%get3A_755] {strides = array<i32>} : memref<240xi32, #tpu.memory_space<vmem>>, vector<16xi32>,
      %get3A_757 = vector.shape_cast %get3A_756 : vector<16xi32> to vector<16xi32>
      %add3A_758 = arith.addi %mul3A_754, %get3A_757 : vector<16xi32>
      %swap3A_759 = arith.constant 48 : index
      %swap3A_760 = tpu.vector_load %arg17[%swap3A_759] {strides = array<i32>} : memref<80xi32, #tpu.memory_space<vmem>>, vector<16xi32>,
      %swap3A_761 = vector.shape_cast %swap3A_760 : vector<16xi32> to vector<16xi32>
      %swap3A_762 = vector.shape_cast %add3A_758 : vector<16xi32> to vector<16xi32>
      tpu.vector_store %arg17[%swap3A_759], %swap3A_762 {strides = array<i32>} : memref<80xi32, #tpu.memory_space<vmem>>, vector<16xi32>,
      %get3A_763 = arith.constant 208 : index
      %get3A_764 = tpu.vector_load %arg9[%get3A_763] {strides = array<i32>} : memref<240xi32, #tpu.memory_space<vmem>>, vector<16xi32>,
      %get3A_765 = vector.shape_cast %get3A_764 : vector<16xi32> to vector<16xi32>
      %swap3A_766 = arith.constant 48 : index
      %swap3A_767 = tpu.vector_load %arg13[%swap3A_766] {strides = array<i32>} : memref<80xi32, #tpu.memory_space<vmem>>, vector<16xi32>,
      %swap3A_768 = vector.shape_cast %swap3A_767 : vector<16xi32> to vector<16xi32>
      %swap3A_769 = vector.shape_cast %get3A_765 : vector<16xi32> to vector<16xi32>
      tpu.vector_store %arg13[%swap3A_766], %swap3A_769 {strides = array<i32>} : memref<80xi32, #tpu.memory_space<vmem>>, vector<16xi32>,
      %get3A_770 = arith.constant 144 : index
      %get3A_771 = tpu.vector_load %arg9[%get3A_770] {strides = array<i32>} : memref<240xi32, #tpu.memory_space<vmem>>, vector<16xi32>,
      %get3A_772 = vector.shape_cast %get3A_771 : vector<16xi32> to vector<16xi32>
      %mul3A_773 = arith.constant 10000 : i32
      %mul3A_774 = vector.broadcast %mul3A_773 : i32 to vector<16xi32>
      %mul3A_775 = arith.muli %get3A_772, %mul3A_774 : vector<16xi32>
      %get3A_776 = arith.constant 64 : index
      %get3A_777 = tpu.vector_load %arg9[%get3A_776] {strides = array<i32>} : memref<240xi32, #tpu.memory_space<vmem>>, vector<16xi32>,
      %get3A_778 = vector.shape_cast %get3A_777 : vector<16xi32> to vector<16xi32>
      %add3A_779 = arith.addi %mul3A_775, %get3A_778 : vector<16xi32>
      %swap3A_780 = arith.constant 64 : index
      %swap3A_781 = tpu.vector_load %arg17[%swap3A_780] {strides = array<i32>} : memref<80xi32, #tpu.memory_space<vmem>>, vector<16xi32>,
      %swap3A_782 = vector.shape_cast %swap3A_781 : vector<16xi32> to vector<16xi32>
      %swap3A_783 = vector.shape_cast %add3A_779 : vector<16xi32> to vector<16xi32>
      tpu.vector_store %arg17[%swap3A_780], %swap3A_783 {strides = array<i32>} : memref<80xi32, #tpu.memory_space<vmem>>, vector<16xi32>,
      %get3A_784 = arith.constant 224 : index
      %get3A_785 = tpu.vector_load %arg9[%get3A_784] {strides = array<i32>} : memref<240xi32, #tpu.memory_space<vmem>>, vector<16xi32>,
      %get3A_786 = vector.shape_cast %get3A_785 : vector<16xi32> to vector<16xi32>
      %swap3A_787 = arith.constant 64 : index
      %swap3A_788 = tpu.vector_load %arg13[%swap3A_787] {strides = array<i32>} : memref<80xi32, #tpu.memory_space<vmem>>, vector<16xi32>,
      %swap3A_789 = vector.shape_cast %swap3A_788 : vector<16xi32> to vector<16xi32>
      %swap3A_790 = vector.shape_cast %get3A_786 : vector<16xi32> to vector<16xi32>
      tpu.vector_store %arg13[%swap3A_787], %swap3A_790 {strides = array<i32>} : memref<80xi32, #tpu.memory_space<vmem>>, vector<16xi32>,
      %dma_start3A_791 = arith.constant 0 : i32
      %dma_start3A_792 = arith.constant 0 : i32
      %dma_start3A_793 = tpu.memref_slice %arg2[%dma_start3A_791, %dma_start3A_792] : memref<80000x128xf32, #tpu.memory_space<hbm>> -> memref<80000x128xf32, #tpu.memory_space<hbm>>
      tpu.enqueue_indirect_dma source(%dma_start3A_793 : memref<80000x128xf32, #tpu.memory_space<hbm>>) target(%arg21 : memref<80x128xf32, #tpu.memory_space<vmem>>) offsets(%arg17 : memref<80xi32, #tpu.memory_space<vmem>>) semaphore(%arg26 : memref<!tpu.dma_semaphore, #tpu.memory_space<semaphore_mem>>)
      %dma_wait3A_794 = arith.constant 0 : i32
      %dma_wait3A_795 = arith.constant 0 : i32
      %dma_wait3A_796 = tpu.memref_slice %arg2[%dma_wait3A_794, %dma_wait3A_795] : memref<80000x128xf32, #tpu.memory_space<hbm>> -> memref<80000x128xf32, #tpu.memory_space<hbm>>
      tpu.wait_indirect_dma semaphore(%arg23 : memref<!tpu.dma_semaphore, #tpu.memory_space<semaphore_mem>>) src(%dma_wait3A_796 : memref<80000x128xf32, #tpu.memory_space<hbm>>) dst(%arg18 : memref<80x128xf32, #tpu.memory_space<vmem>>)
      %dma_start3A_797 = arith.constant 0 : i32
      %dma_start3A_798 = arith.constant 0 : i32
      %dma_start3A_799 = tpu.memref_slice %arg22[%dma_start3A_797, %dma_start3A_798] : memref<10112x128xf32, #tpu.memory_space<vmem_shared>> -> memref<10112x128xf32, #tpu.memory_space<vmem_shared>>
      tpu.enqueue_indirect_dma source(%arg18 : memref<80x128xf32, #tpu.memory_space<vmem>>) target(%dma_start3A_799 : memref<10112x128xf32, #tpu.memory_space<vmem_shared>>) offsets(%arg10 : memref<80xi32, #tpu.memory_space<vmem>>) semaphore(%arg31 : memref<!tpu.dma_semaphore, #tpu.memory_space<semaphore_mem>>) {add = true}
      %add3A_800 = arith.constant 1 : i32
      %add3A_801 = arith.addi %mul3A_661, %add3A_800 : i32
      %add3A_802 = arith.constant 4 : i32
      %add3A_803 = arith.addi %add3A_801, %add3A_802 : i32
      %mul3A_804 = arith.constant 80 : i32
      %mul3A_805 = arith.muli %add3A_803, %mul3A_804 : i32
      %add3A_806 = arith.addi %mul3A_2, %mul3A_805 : i32
      %mul3A_807 = arith.constant 3 : i32
      %mul3A_808 = arith.muli %add3A_806, %mul3A_807 : i32
      %dma_start3A_809 = tpu.memref_slice %arg3[%mul3A_808] : memref<960000xi32, #tpu.memory_space<hbm>> -> memref<240xi32, #tpu.memory_space<hbm>>
      %dma_start3A_810 = tpu.memref_slice %arg3[%mul3A_808] : memref<960000xi32, #tpu.memory_space<hbm>> -> memref<240xi32, #tpu.memory_space<hbm>>
      tpu.enqueue_dma source(%dma_start3A_810 : memref<240xi32, #tpu.memory_space<hbm>>) target(%arg7 : memref<240xi32, #tpu.memory_space<vmem>>) target_semaphore(%arg28 : memref<!tpu.dma_semaphore, #tpu.memory_space<semaphore_mem>>)
      %add3A_811 = arith.constant 1 : i32
      %add3A_812 = arith.addi %mul3A_661, %add3A_811 : i32
      %add3A_813 = arith.constant 3 : i32
      %add3A_814 = arith.addi %add3A_812, %add3A_813 : i32
      %mul3A_815 = arith.constant 80 : i32
      %mul3A_816 = arith.muli %add3A_814, %mul3A_815 : i32
      %add3A_817 = arith.addi %mul3A_2, %mul3A_816 : i32
      %mul3A_818 = arith.constant 3 : i32
      %mul3A_819 = arith.muli %add3A_817, %mul3A_818 : i32
      %dma_wait3A_820 = tpu.memref_slice %arg3[%mul3A_819] : memref<960000xi32, #tpu.memory_space<hbm>> -> memref<240xi32, #tpu.memory_space<hbm>>
      %dma_wait3A_821 = tpu.memref_slice %arg3[%mul3A_819] : memref<960000xi32, #tpu.memory_space<hbm>> -> memref<240xi32, #tpu.memory_space<hbm>>
      tpu.wait_dma2 semaphore(%arg27 : memref<!tpu.dma_semaphore, #tpu.memory_space<semaphore_mem>>) src(%dma_wait3A_821 : memref<240xi32, #tpu.memory_space<hbm>>) dst(%arg6 : memref<240xi32, #tpu.memory_space<vmem>>)
      %dma_wait3A_822 = arith.constant 0 : i32
      %dma_wait3A_823 = arith.constant 0 : i32
      %dma_wait3A_824 = tpu.memref_slice %arg22[%dma_wait3A_822, %dma_wait3A_823] : memref<10112x128xf32, #tpu.memory_space<vmem_shared>> -> memref<10112x128xf32, #tpu.memory_space<vmem_shared>>
      tpu.wait_indirect_dma semaphore(%arg31 : memref<!tpu.dma_semaphore, #tpu.memory_space<semaphore_mem>>) src(%arg18 : memref<80x128xf32, #tpu.memory_space<vmem>>) dst(%dma_wait3A_824 : memref<10112x128xf32, #tpu.memory_space<vmem_shared>>)
      %get3A_825 = arith.constant 80 : index
      %get3A_826 = tpu.vector_load %arg6[%get3A_825] {strides = array<i32>} : memref<240xi32, #tpu.memory_space<vmem>>, vector<16xi32>,
      %get3A_827 = vector.shape_cast %get3A_826 : vector<16xi32> to vector<16xi32>
      %mul3A_828 = arith.constant 10000 : i32
      %mul3A_829 = vector.broadcast %mul3A_828 : i32 to vector<16xi32>
      %mul3A_830 = arith.muli %get3A_827, %mul3A_829 : vector<16xi32>
      %get3A_831 = arith.constant 0 : index
      %get3A_832 = tpu.vector_load %arg6[%get3A_831] {strides = array<i32>} : memref<240xi32, #tpu.memory_space<vmem>>, vector<16xi32>,
      %get3A_833 = vector.shape_cast %get3A_832 : vector<16xi32> to vector<16xi32>
      %add3A_834 = arith.addi %mul3A_830, %get3A_833 : vector<16xi32>
      %swap3A_835 = arith.constant 0 : index
      %swap3A_836 = tpu.vector_load %arg14[%swap3A_835] {strides = array<i32>} : memref<80xi32, #tpu.memory_space<vmem>>, vector<16xi32>,
      %swap3A_837 = vector.shape_cast %swap3A_836 : vector<16xi32> to vector<16xi32>
      %swap3A_838 = vector.shape_cast %add3A_834 : vector<16xi32> to vector<16xi32>
      tpu.vector_store %arg14[%swap3A_835], %swap3A_838 {strides = array<i32>} : memref<80xi32, #tpu.memory_space<vmem>>, vector<16xi32>,
      %get3A_839 = arith.constant 160 : index
      %get3A_840 = tpu.vector_load %arg6[%get3A_839] {strides = array<i32>} : memref<240xi32, #tpu.memory_space<vmem>>, vector<16xi32>,
      %get3A_841 = vector.shape_cast %get3A_840 : vector<16xi32> to vector<16xi32>
      %swap3A_842 = arith.constant 0 : index
      %swap3A_843 = tpu.vector_load %arg10[%swap3A_842] {strides = array<i32>} : memref<80xi32, #tpu.memory_space<vmem>>, vector<16xi32>,
      %swap3A_844 = vector.shape_cast %swap3A_843 : vector<16xi32> to vector<16xi32>
      %swap3A_845 = vector.shape_cast %get3A_841 : vector<16xi32> to vector<16xi32>
      tpu.vector_store %arg10[%swap3A_842], %swap3A_845 {strides = array<i32>} : memref<80xi32, #tpu.memory_space<vmem>>, vector<16xi32>,
      %get3A_846 = arith.constant 96 : index
      %get3A_847 = tpu.vector_load %arg6[%get3A_846] {strides = array<i32>} : memref<240xi32, #tpu.memory_space<vmem>>, vector<16xi32>,
      %get3A_848 = vector.shape_cast %get3A_847 : vector<16xi32> to vector<16xi32>
      %mul3A_849 = arith.constant 10000 : i32
      %mul3A_850 = vector.broadcast %mul3A_849 : i32 to vector<16xi32>
      %mul3A_851 = arith.muli %get3A_848, %mul3A_850 : vector<16xi32>
      %get3A_852 = arith.constant 16 : index
      %get3A_853 = tpu.vector_load %arg6[%get3A_852] {strides = array<i32>} : memref<240xi32, #tpu.memory_space<vmem>>, vector<16xi32>,
      %get3A_854 = vector.shape_cast %get3A_853 : vector<16xi32> to vector<16xi32>
      %add3A_855 = arith.addi %mul3A_851, %get3A_854 : vector<16xi32>
      %swap3A_856 = arith.constant 16 : index
      %swap3A_857 = tpu.vector_load %arg14[%swap3A_856] {strides = array<i32>} : memref<80xi32, #tpu.memory_space<vmem>>, vector<16xi32>,
      %swap3A_858 = vector.shape_cast %swap3A_857 : vector<16xi32> to vector<16xi32>
      %swap3A_859 = vector.shape_cast %add3A_855 : vector<16xi32> to vector<16xi32>
      tpu.vector_store %arg14[%swap3A_856], %swap3A_859 {strides = array<i32>} : memref<80xi32, #tpu.memory_space<vmem>>, vector<16xi32>,
      %get3A_860 = arith.constant 176 : index
      %get3A_861 = tpu.vector_load %arg6[%get3A_860] {strides = array<i32>} : memref<240xi32, #tpu.memory_space<vmem>>, vector<16xi32>,
      %get3A_862 = vector.shape_cast %get3A_861 : vector<16xi32> to vector<16xi32>
      %swap3A_863 = arith.constant 16 : index
      %swap3A_864 = tpu.vector_load %arg10[%swap3A_863] {strides = array<i32>} : memref<80xi32, #tpu.memory_space<vmem>>, vector<16xi32>,
      %swap3A_865 = vector.shape_cast %swap3A_864 : vector<16xi32> to vector<16xi32>
      %swap3A_866 = vector.shape_cast %get3A_862 : vector<16xi32> to vector<16xi32>
      tpu.vector_store %arg10[%swap3A_863], %swap3A_866 {strides = array<i32>} : memref<80xi32, #tpu.memory_space<vmem>>, vector<16xi32>,
      %get3A_867 = arith.constant 112 : index
      %get3A_868 = tpu.vector_load %arg6[%get3A_867] {strides = array<i32>} : memref<240xi32, #tpu.memory_space<vmem>>, vector<16xi32>,
      %get3A_869 = vector.shape_cast %get3A_868 : vector<16xi32> to vector<16xi32>
      %mul3A_870 = arith.constant 10000 : i32
      %mul3A_871 = vector.broadcast %mul3A_870 : i32 to vector<16xi32>
      %mul3A_872 = arith.muli %get3A_869, %mul3A_871 : vector<16xi32>
      %get3A_873 = arith.constant 32 : index
      %get3A_874 = tpu.vector_load %arg6[%get3A_873] {strides = array<i32>} : memref<240xi32, #tpu.memory_space<vmem>>, vector<16xi32>,
      %get3A_875 = vector.shape_cast %get3A_874 : vector<16xi32> to vector<16xi32>
      %add3A_876 = arith.addi %mul3A_872, %get3A_875 : vector<16xi32>
      %swap3A_877 = arith.constant 32 : index
      %swap3A_878 = tpu.vector_load %arg14[%swap3A_877] {strides = array<i32>} : memref<80xi32, #tpu.memory_space<vmem>>, vector<16xi32>,
      %swap3A_879 = vector.shape_cast %swap3A_878 : vector<16xi32> to vector<16xi32>
      %swap3A_880 = vector.shape_cast %add3A_876 : vector<16xi32> to vector<16xi32>
      tpu.vector_store %arg14[%swap3A_877], %swap3A_880 {strides = array<i32>} : memref<80xi32, #tpu.memory_space<vmem>>, vector<16xi32>,
      %get3A_881 = arith.constant 192 : index
      %get3A_882 = tpu.vector_load %arg6[%get3A_881] {strides = array<i32>} : memref<240xi32, #tpu.memory_space<vmem>>, vector<16xi32>,
      %get3A_883 = vector.shape_cast %get3A_882 : vector<16xi32> to vector<16xi32>
      %swap3A_884 = arith.constant 32 : index
      %swap3A_885 = tpu.vector_load %arg10[%swap3A_884] {strides = array<i32>} : memref<80xi32, #tpu.memory_space<vmem>>, vector<16xi32>,
      %swap3A_886 = vector.shape_cast %swap3A_885 : vector<16xi32> to vector<16xi32>
      %swap3A_887 = vector.shape_cast %get3A_883 : vector<16xi32> to vector<16xi32>
      tpu.vector_store %arg10[%swap3A_884], %swap3A_887 {strides = array<i32>} : memref<80xi32, #tpu.memory_space<vmem>>, vector<16xi32>,
      %get3A_888 = arith.constant 128 : index
      %get3A_889 = tpu.vector_load %arg6[%get3A_888] {strides = array<i32>} : memref<240xi32, #tpu.memory_space<vmem>>, vector<16xi32>,
      %get3A_890 = vector.shape_cast %get3A_889 : vector<16xi32> to vector<16xi32>
      %mul3A_891 = arith.constant 10000 : i32
      %mul3A_892 = vector.broadcast %mul3A_891 : i32 to vector<16xi32>
      %mul3A_893 = arith.muli %get3A_890, %mul3A_892 : vector<16xi32>
      %get3A_894 = arith.constant 48 : index
      %get3A_895 = tpu.vector_load %arg6[%get3A_894] {strides = array<i32>} : memref<240xi32, #tpu.memory_space<vmem>>, vector<16xi32>,
      %get3A_896 = vector.shape_cast %get3A_895 : vector<16xi32> to vector<16xi32>
      %add3A_897 = arith.addi %mul3A_893, %get3A_896 : vector<16xi32>
      %swap3A_898 = arith.constant 48 : index
      %swap3A_899 = tpu.vector_load %arg14[%swap3A_898] {strides = array<i32>} : memref<80xi32, #tpu.memory_space<vmem>>, vector<16xi32>,
      %swap3A_900 = vector.shape_cast %swap3A_899 : vector<16xi32> to vector<16xi32>
      %swap3A_901 = vector.shape_cast %add3A_897 : vector<16xi32> to vector<16xi32>
      tpu.vector_store %arg14[%swap3A_898], %swap3A_901 {strides = array<i32>} : memref<80xi32, #tpu.memory_space<vmem>>, vector<16xi32>,
      %get3A_902 = arith.constant 208 : index
      %get3A_903 = tpu.vector_load %arg6[%get3A_902] {strides = array<i32>} : memref<240xi32, #tpu.memory_space<vmem>>, vector<16xi32>,
      %get3A_904 = vector.shape_cast %get3A_903 : vector<16xi32> to vector<16xi32>
      %swap3A_905 = arith.constant 48 : index
      %swap3A_906 = tpu.vector_load %arg10[%swap3A_905] {strides = array<i32>} : memref<80xi32, #tpu.memory_space<vmem>>, vector<16xi32>,
      %swap3A_907 = vector.shape_cast %swap3A_906 : vector<16xi32> to vector<16xi32>
      %swap3A_908 = vector.shape_cast %get3A_904 : vector<16xi32> to vector<16xi32>
      tpu.vector_store %arg10[%swap3A_905], %swap3A_908 {strides = array<i32>} : memref<80xi32, #tpu.memory_space<vmem>>, vector<16xi32>,
      %get3A_909 = arith.constant 144 : index
      %get3A_910 = tpu.vector_load %arg6[%get3A_909] {strides = array<i32>} : memref<240xi32, #tpu.memory_space<vmem>>, vector<16xi32>,
      %get3A_911 = vector.shape_cast %get3A_910 : vector<16xi32> to vector<16xi32>
      %mul3A_912 = arith.constant 10000 : i32
      %mul3A_913 = vector.broadcast %mul3A_912 : i32 to vector<16xi32>
      %mul3A_914 = arith.muli %get3A_911, %mul3A_913 : vector<16xi32>
      %get3A_915 = arith.constant 64 : index
      %get3A_916 = tpu.vector_load %arg6[%get3A_915] {strides = array<i32>} : memref<240xi32, #tpu.memory_space<vmem>>, vector<16xi32>,
      %get3A_917 = vector.shape_cast %get3A_916 : vector<16xi32> to vector<16xi32>
      %add3A_918 = arith.addi %mul3A_914, %get3A_917 : vector<16xi32>
      %swap3A_919 = arith.constant 64 : index
      %swap3A_920 = tpu.vector_load %arg14[%swap3A_919] {strides = array<i32>} : memref<80xi32, #tpu.memory_space<vmem>>, vector<16xi32>,
      %swap3A_921 = vector.shape_cast %swap3A_920 : vector<16xi32> to vector<16xi32>
      %swap3A_922 = vector.shape_cast %add3A_918 : vector<16xi32> to vector<16xi32>
      tpu.vector_store %arg14[%swap3A_919], %swap3A_922 {strides = array<i32>} : memref<80xi32, #tpu.memory_space<vmem>>, vector<16xi32>,
      %get3A_923 = arith.constant 224 : index
      %get3A_924 = tpu.vector_load %arg6[%get3A_923] {strides = array<i32>} : memref<240xi32, #tpu.memory_space<vmem>>, vector<16xi32>,
      %get3A_925 = vector.shape_cast %get3A_924 : vector<16xi32> to vector<16xi32>
      %swap3A_926 = arith.constant 64 : index
      %swap3A_927 = tpu.vector_load %arg10[%swap3A_926] {strides = array<i32>} : memref<80xi32, #tpu.memory_space<vmem>>, vector<16xi32>,
      %swap3A_928 = vector.shape_cast %swap3A_927 : vector<16xi32> to vector<16xi32>
      %swap3A_929 = vector.shape_cast %get3A_925 : vector<16xi32> to vector<16xi32>
      tpu.vector_store %arg10[%swap3A_926], %swap3A_929 {strides = array<i32>} : memref<80xi32, #tpu.memory_space<vmem>>, vector<16xi32>,
      %dma_start3A_930 = arith.constant 0 : i32
      %dma_start3A_931 = arith.constant 0 : i32
      %dma_start3A_932 = tpu.memref_slice %arg2[%dma_start3A_930, %dma_start3A_931] : memref<80000x128xf32, #tpu.memory_space<hbm>> -> memref<80000x128xf32, #tpu.memory_space<hbm>>
      tpu.enqueue_indirect_dma source(%dma_start3A_932 : memref<80000x128xf32, #tpu.memory_space<hbm>>) target(%arg18 : memref<80x128xf32, #tpu.memory_space<vmem>>) offsets(%arg14 : memref<80xi32, #tpu.memory_space<vmem>>) semaphore(%arg23 : memref<!tpu.dma_semaphore, #tpu.memory_space<semaphore_mem>>)
      %dma_wait3A_933 = arith.constant 0 : i32
      %dma_wait3A_934 = arith.constant 0 : i32
      %dma_wait3A_935 = tpu.memref_slice %arg2[%dma_wait3A_933, %dma_wait3A_934] : memref<80000x128xf32, #tpu.memory_space<hbm>> -> memref<80000x128xf32, #tpu.memory_space<hbm>>
      tpu.wait_indirect_dma semaphore(%arg24 : memref<!tpu.dma_semaphore, #tpu.memory_space<semaphore_mem>>) src(%dma_wait3A_935 : memref<80000x128xf32, #tpu.memory_space<hbm>>) dst(%arg19 : memref<80x128xf32, #tpu.memory_space<vmem>>)
      %dma_start3A_936 = arith.constant 0 : i32
      %dma_start3A_937 = arith.constant 0 : i32
      %dma_start3A_938 = tpu.memref_slice %arg22[%dma_start3A_936, %dma_start3A_937] : memref<10112x128xf32, #tpu.memory_space<vmem_shared>> -> memref<10112x128xf32, #tpu.memory_space<vmem_shared>>
      tpu.enqueue_indirect_dma source(%arg19 : memref<80x128xf32, #tpu.memory_space<vmem>>) target(%dma_start3A_938 : memref<10112x128xf32, #tpu.memory_space<vmem_shared>>) offsets(%arg11 : memref<80xi32, #tpu.memory_space<vmem>>) semaphore(%arg32 : memref<!tpu.dma_semaphore, #tpu.memory_space<semaphore_mem>>) {add = true}
      %add3A_939 = arith.constant 2 : i32
      %add3A_940 = arith.addi %mul3A_661, %add3A_939 : i32
      %add3A_941 = arith.constant 4 : i32
      %add3A_942 = arith.addi %add3A_940, %add3A_941 : i32
      %mul3A_943 = arith.constant 80 : i32
      %mul3A_944 = arith.muli %add3A_942, %mul3A_943 : i32
      %add3A_945 = arith.addi %mul3A_2, %mul3A_944 : i32
      %mul3A_946 = arith.constant 3 : i32
      %mul3A_947 = arith.muli %add3A_945, %mul3A_946 : i32
      %dma_start3A_948 = tpu.memref_slice %arg3[%mul3A_947] : memref<960000xi32, #tpu.memory_space<hbm>> -> memref<240xi32, #tpu.memory_space<hbm>>
      %dma_start3A_949 = tpu.memref_slice %arg3[%mul3A_947] : memref<960000xi32, #tpu.memory_space<hbm>> -> memref<240xi32, #tpu.memory_space<hbm>>
      tpu.enqueue_dma source(%dma_start3A_949 : memref<240xi32, #tpu.memory_space<hbm>>) target(%arg8 : memref<240xi32, #tpu.memory_space<vmem>>) target_semaphore(%arg29 : memref<!tpu.dma_semaphore, #tpu.memory_space<semaphore_mem>>)
      %add3A_950 = arith.constant 2 : i32
      %add3A_951 = arith.addi %mul3A_661, %add3A_950 : i32
      %add3A_952 = arith.constant 3 : i32
      %add3A_953 = arith.addi %add3A_951, %add3A_952 : i32
      %mul3A_954 = arith.constant 80 : i32
      %mul3A_955 = arith.muli %add3A_953, %mul3A_954 : i32
      %add3A_956 = arith.addi %mul3A_2, %mul3A_955 : i32
      %mul3A_957 = arith.constant 3 : i32
      %mul3A_958 = arith.muli %add3A_956, %mul3A_957 : i32
      %dma_wait3A_959 = tpu.memref_slice %arg3[%mul3A_958] : memref<960000xi32, #tpu.memory_space<hbm>> -> memref<240xi32, #tpu.memory_space<hbm>>
      %dma_wait3A_960 = tpu.memref_slice %arg3[%mul3A_958] : memref<960000xi32, #tpu.memory_space<hbm>> -> memref<240xi32, #tpu.memory_space<hbm>>
      tpu.wait_dma2 semaphore(%arg28 : memref<!tpu.dma_semaphore, #tpu.memory_space<semaphore_mem>>) src(%dma_wait3A_960 : memref<240xi32, #tpu.memory_space<hbm>>) dst(%arg7 : memref<240xi32, #tpu.memory_space<vmem>>)
      %dma_wait3A_961 = arith.constant 0 : i32
      %dma_wait3A_962 = arith.constant 0 : i32
      %dma_wait3A_963 = tpu.memref_slice %arg22[%dma_wait3A_961, %dma_wait3A_962] : memref<10112x128xf32, #tpu.memory_space<vmem_shared>> -> memref<10112x128xf32, #tpu.memory_space<vmem_shared>>
      tpu.wait_indirect_dma semaphore(%arg32 : memref<!tpu.dma_semaphore, #tpu.memory_space<semaphore_mem>>) src(%arg19 : memref<80x128xf32, #tpu.memory_space<vmem>>) dst(%dma_wait3A_963 : memref<10112x128xf32, #tpu.memory_space<vmem_shared>>)
      %get3A_964 = arith.constant 80 : index
      %get3A_965 = tpu.vector_load %arg7[%get3A_964] {strides = array<i32>} : memref<240xi32, #tpu.memory_space<vmem>>, vector<16xi32>,
      %get3A_966 = vector.shape_cast %get3A_965 : vector<16xi32> to vector<16xi32>
      %mul3A_967 = arith.constant 10000 : i32
      %mul3A_968 = vector.broadcast %mul3A_967 : i32 to vector<16xi32>
      %mul3A_969 = arith.muli %get3A_966, %mul3A_968 : vector<16xi32>
      %get3A_970 = arith.constant 0 : index
      %get3A_971 = tpu.vector_load %arg7[%get3A_970] {strides = array<i32>} : memref<240xi32, #tpu.memory_space<vmem>>, vector<16xi32>,
      %get3A_972 = vector.shape_cast %get3A_971 : vector<16xi32> to vector<16xi32>
      %add3A_973 = arith.addi %mul3A_969, %get3A_972 : vector<16xi32>
      %swap3A_974 = arith.constant 0 : index
      %swap3A_975 = tpu.vector_load %arg15[%swap3A_974] {strides = array<i32>} : memref<80xi32, #tpu.memory_space<vmem>>, vector<16xi32>,
      %swap3A_976 = vector.shape_cast %swap3A_975 : vector<16xi32> to vector<16xi32>
      %swap3A_977 = vector.shape_cast %add3A_973 : vector<16xi32> to vector<16xi32>
      tpu.vector_store %arg15[%swap3A_974], %swap3A_977 {strides = array<i32>} : memref<80xi32, #tpu.memory_space<vmem>>, vector<16xi32>,
      %get3A_978 = arith.constant 160 : index
      %get3A_979 = tpu.vector_load %arg7[%get3A_978] {strides = array<i32>} : memref<240xi32, #tpu.memory_space<vmem>>, vector<16xi32>,
      %get3A_980 = vector.shape_cast %get3A_979 : vector<16xi32> to vector<16xi32>
      %swap3A_981 = arith.constant 0 : index
      %swap3A_982 = tpu.vector_load %arg11[%swap3A_981] {strides = array<i32>} : memref<80xi32, #tpu.memory_space<vmem>>, vector<16xi32>,
      %swap3A_983 = vector.shape_cast %swap3A_982 : vector<16xi32> to vector<16xi32>
      %swap3A_984 = vector.shape_cast %get3A_980 : vector<16xi32> to vector<16xi32>
      tpu.vector_store %arg11[%swap3A_981], %swap3A_984 {strides = array<i32>} : memref<80xi32, #tpu.memory_space<vmem>>, vector<16xi32>,
      %get3A_985 = arith.constant 96 : index
      %get3A_986 = tpu.vector_load %arg7[%get3A_985] {strides = array<i32>} : memref<240xi32, #tpu.memory_space<vmem>>, vector<16xi32>,
      %get3A_987 = vector.shape_cast %get3A_986 : vector<16xi32> to vector<16xi32>
      %mul3A_988 = arith.constant 10000 : i32
      %mul3A_989 = vector.broadcast %mul3A_988 : i32 to vector<16xi32>
      %mul3A_990 = arith.muli %get3A_987, %mul3A_989 : vector<16xi32>
      %get3A_991 = arith.constant 16 : index
      %get3A_992 = tpu.vector_load %arg7[%get3A_991] {strides = array<i32>} : memref<240xi32, #tpu.memory_space<vmem>>, vector<16xi32>,
      %get3A_993 = vector.shape_cast %get3A_992 : vector<16xi32> to vector<16xi32>
      %add3A_994 = arith.addi %mul3A_990, %get3A_993 : vector<16xi32>
      %swap3A_995 = arith.constant 16 : index
      %swap3A_996 = tpu.vector_load %arg15[%swap3A_995] {strides = array<i32>} : memref<80xi32, #tpu.memory_space<vmem>>, vector<16xi32>,
      %swap3A_997 = vector.shape_cast %swap3A_996 : vector<16xi32> to vector<16xi32>
      %swap3A_998 = vector.shape_cast %add3A_994 : vector<16xi32> to vector<16xi32>
      tpu.vector_store %arg15[%swap3A_995], %swap3A_998 {strides = array<i32>} : memref<80xi32, #tpu.memory_space<vmem>>, vector<16xi32>,
      %get3A_999 = arith.constant 176 : index
      %get3A_1000 = tpu.vector_load %arg7[%get3A_999] {strides = array<i32>} : memref<240xi32, #tpu.memory_space<vmem>>, vector<16xi32>,
      %get3A_1001 = vector.shape_cast %get3A_1000 : vector<16xi32> to vector<16xi32>
      %swap3A_1002 = arith.constant 16 : index
      %swap3A_1003 = tpu.vector_load %arg11[%swap3A_1002] {strides = array<i32>} : memref<80xi32, #tpu.memory_space<vmem>>, vector<16xi32>,
      %swap3A_1004 = vector.shape_cast %swap3A_1003 : vector<16xi32> to vector<16xi32>
      %swap3A_1005 = vector.shape_cast %get3A_1001 : vector<16xi32> to vector<16xi32>
      tpu.vector_store %arg11[%swap3A_1002], %swap3A_1005 {strides = array<i32>} : memref<80xi32, #tpu.memory_space<vmem>>, vector<16xi32>,
      %get3A_1006 = arith.constant 112 : index
      %get3A_1007 = tpu.vector_load %arg7[%get3A_1006] {strides = array<i32>} : memref<240xi32, #tpu.memory_space<vmem>>, vector<16xi32>,
      %get3A_1008 = vector.shape_cast %get3A_1007 : vector<16xi32> to vector<16xi32>
      %mul3A_1009 = arith.constant 10000 : i32
      %mul3A_1010 = vector.broadcast %mul3A_1009 : i32 to vector<16xi32>
      %mul3A_1011 = arith.muli %get3A_1008, %mul3A_1010 : vector<16xi32>
      %get3A_1012 = arith.constant 32 : index
      %get3A_1013 = tpu.vector_load %arg7[%get3A_1012] {strides = array<i32>} : memref<240xi32, #tpu.memory_space<vmem>>, vector<16xi32>,
      %get3A_1014 = vector.shape_cast %get3A_1013 : vector<16xi32> to vector<16xi32>
      %add3A_1015 = arith.addi %mul3A_1011, %get3A_1014 : vector<16xi32>
      %swap3A_1016 = arith.constant 32 : index
      %swap3A_1017 = tpu.vector_load %arg15[%swap3A_1016] {strides = array<i32>} : memref<80xi32, #tpu.memory_space<vmem>>, vector<16xi32>,
      %swap3A_1018 = vector.shape_cast %swap3A_1017 : vector<16xi32> to vector<16xi32>
      %swap3A_1019 = vector.shape_cast %add3A_1015 : vector<16xi32> to vector<16xi32>
      tpu.vector_store %arg15[%swap3A_1016], %swap3A_1019 {strides = array<i32>} : memref<80xi32, #tpu.memory_space<vmem>>, vector<16xi32>,
      %get3A_1020 = arith.constant 192 : index
      %get3A_1021 = tpu.vector_load %arg7[%get3A_1020] {strides = array<i32>} : memref<240xi32, #tpu.memory_space<vmem>>, vector<16xi32>,
      %get3A_1022 = vector.shape_cast %get3A_1021 : vector<16xi32> to vector<16xi32>
      %swap3A_1023 = arith.constant 32 : index
      %swap3A_1024 = tpu.vector_load %arg11[%swap3A_1023] {strides = array<i32>} : memref<80xi32, #tpu.memory_space<vmem>>, vector<16xi32>,
      %swap3A_1025 = vector.shape_cast %swap3A_1024 : vector<16xi32> to vector<16xi32>
      %swap3A_1026 = vector.shape_cast %get3A_1022 : vector<16xi32> to vector<16xi32>
      tpu.vector_store %arg11[%swap3A_1023], %swap3A_1026 {strides = array<i32>} : memref<80xi32, #tpu.memory_space<vmem>>, vector<16xi32>,
      %get3A_1027 = arith.constant 128 : index
      %get3A_1028 = tpu.vector_load %arg7[%get3A_1027] {strides = array<i32>} : memref<240xi32, #tpu.memory_space<vmem>>, vector<16xi32>,
      %get3A_1029 = vector.shape_cast %get3A_1028 : vector<16xi32> to vector<16xi32>
      %mul3A_1030 = arith.constant 10000 : i32
      %mul3A_1031 = vector.broadcast %mul3A_1030 : i32 to vector<16xi32>
      %mul3A_1032 = arith.muli %get3A_1029, %mul3A_1031 : vector<16xi32>
      %get3A_1033 = arith.constant 48 : index
      %get3A_1034 = tpu.vector_load %arg7[%get3A_1033] {strides = array<i32>} : memref<240xi32, #tpu.memory_space<vmem>>, vector<16xi32>,
      %get3A_1035 = vector.shape_cast %get3A_1034 : vector<16xi32> to vector<16xi32>
      %add3A_1036 = arith.addi %mul3A_1032, %get3A_1035 : vector<16xi32>
      %swap3A_1037 = arith.constant 48 : index
      %swap3A_1038 = tpu.vector_load %arg15[%swap3A_1037] {strides = array<i32>} : memref<80xi32, #tpu.memory_space<vmem>>, vector<16xi32>,
      %swap3A_1039 = vector.shape_cast %swap3A_1038 : vector<16xi32> to vector<16xi32>
      %swap3A_1040 = vector.shape_cast %add3A_1036 : vector<16xi32> to vector<16xi32>
      tpu.vector_store %arg15[%swap3A_1037], %swap3A_1040 {strides = array<i32>} : memref<80xi32, #tpu.memory_space<vmem>>, vector<16xi32>,
      %get3A_1041 = arith.constant 208 : index
      %get3A_1042 = tpu.vector_load %arg7[%get3A_1041] {strides = array<i32>} : memref<240xi32, #tpu.memory_space<vmem>>, vector<16xi32>,
      %get3A_1043 = vector.shape_cast %get3A_1042 : vector<16xi32> to vector<16xi32>
      %swap3A_1044 = arith.constant 48 : index
      %swap3A_1045 = tpu.vector_load %arg11[%swap3A_1044] {strides = array<i32>} : memref<80xi32, #tpu.memory_space<vmem>>, vector<16xi32>,
      %swap3A_1046 = vector.shape_cast %swap3A_1045 : vector<16xi32> to vector<16xi32>
      %swap3A_1047 = vector.shape_cast %get3A_1043 : vector<16xi32> to vector<16xi32>
      tpu.vector_store %arg11[%swap3A_1044], %swap3A_1047 {strides = array<i32>} : memref<80xi32, #tpu.memory_space<vmem>>, vector<16xi32>,
      %get3A_1048 = arith.constant 144 : index
      %get3A_1049 = tpu.vector_load %arg7[%get3A_1048] {strides = array<i32>} : memref<240xi32, #tpu.memory_space<vmem>>, vector<16xi32>,
      %get3A_1050 = vector.shape_cast %get3A_1049 : vector<16xi32> to vector<16xi32>
      %mul3A_1051 = arith.constant 10000 : i32
      %mul3A_1052 = vector.broadcast %mul3A_1051 : i32 to vector<16xi32>
      %mul3A_1053 = arith.muli %get3A_1050, %mul3A_1052 : vector<16xi32>
      %get3A_1054 = arith.constant 64 : index
      %get3A_1055 = tpu.vector_load %arg7[%get3A_1054] {strides = array<i32>} : memref<240xi32, #tpu.memory_space<vmem>>, vector<16xi32>,
      %get3A_1056 = vector.shape_cast %get3A_1055 : vector<16xi32> to vector<16xi32>
      %add3A_1057 = arith.addi %mul3A_1053, %get3A_1056 : vector<16xi32>
      %swap3A_1058 = arith.constant 64 : index
      %swap3A_1059 = tpu.vector_load %arg15[%swap3A_1058] {strides = array<i32>} : memref<80xi32, #tpu.memory_space<vmem>>, vector<16xi32>,
      %swap3A_1060 = vector.shape_cast %swap3A_1059 : vector<16xi32> to vector<16xi32>
      %swap3A_1061 = vector.shape_cast %add3A_1057 : vector<16xi32> to vector<16xi32>
      tpu.vector_store %arg15[%swap3A_1058], %swap3A_1061 {strides = array<i32>} : memref<80xi32, #tpu.memory_space<vmem>>, vector<16xi32>,
      %get3A_1062 = arith.constant 224 : index
      %get3A_1063 = tpu.vector_load %arg7[%get3A_1062] {strides = array<i32>} : memref<240xi32, #tpu.memory_space<vmem>>, vector<16xi32>,
      %get3A_1064 = vector.shape_cast %get3A_1063 : vector<16xi32> to vector<16xi32>
      %swap3A_1065 = arith.constant 64 : index
      %swap3A_1066 = tpu.vector_load %arg11[%swap3A_1065] {strides = array<i32>} : memref<80xi32, #tpu.memory_space<vmem>>, vector<16xi32>,
      %swap3A_1067 = vector.shape_cast %swap3A_1066 : vector<16xi32> to vector<16xi32>
      %swap3A_1068 = vector.shape_cast %get3A_1064 : vector<16xi32> to vector<16xi32>
      tpu.vector_store %arg11[%swap3A_1065], %swap3A_1068 {strides = array<i32>} : memref<80xi32, #tpu.memory_space<vmem>>, vector<16xi32>,
      %dma_start3A_1069 = arith.constant 0 : i32
      %dma_start3A_1070 = arith.constant 0 : i32
      %dma_start3A_1071 = tpu.memref_slice %arg2[%dma_start3A_1069, %dma_start3A_1070] : memref<80000x128xf32, #tpu.memory_space<hbm>> -> memref<80000x128xf32, #tpu.memory_space<hbm>>
      tpu.enqueue_indirect_dma source(%dma_start3A_1071 : memref<80000x128xf32, #tpu.memory_space<hbm>>) target(%arg19 : memref<80x128xf32, #tpu.memory_space<vmem>>) offsets(%arg15 : memref<80xi32, #tpu.memory_space<vmem>>) semaphore(%arg24 : memref<!tpu.dma_semaphore, #tpu.memory_space<semaphore_mem>>)
      %dma_wait3A_1072 = arith.constant 0 : i32
      %dma_wait3A_1073 = arith.constant 0 : i32
      %dma_wait3A_1074 = tpu.memref_slice %arg2[%dma_wait3A_1072, %dma_wait3A_1073] : memref<80000x128xf32, #tpu.memory_space<hbm>> -> memref<80000x128xf32, #tpu.memory_space<hbm>>
      tpu.wait_indirect_dma semaphore(%arg25 : memref<!tpu.dma_semaphore, #tpu.memory_space<semaphore_mem>>) src(%dma_wait3A_1074 : memref<80000x128xf32, #tpu.memory_space<hbm>>) dst(%arg20 : memref<80x128xf32, #tpu.memory_space<vmem>>)
      %dma_start3A_1075 = arith.constant 0 : i32
      %dma_start3A_1076 = arith.constant 0 : i32
      %dma_start3A_1077 = tpu.memref_slice %arg22[%dma_start3A_1075, %dma_start3A_1076] : memref<10112x128xf32, #tpu.memory_space<vmem_shared>> -> memref<10112x128xf32, #tpu.memory_space<vmem_shared>>
      tpu.enqueue_indirect_dma source(%arg20 : memref<80x128xf32, #tpu.memory_space<vmem>>) target(%dma_start3A_1077 : memref<10112x128xf32, #tpu.memory_space<vmem_shared>>) offsets(%arg12 : memref<80xi32, #tpu.memory_space<vmem>>) semaphore(%arg33 : memref<!tpu.dma_semaphore, #tpu.memory_space<semaphore_mem>>) {add = true}
      %add3A_1078 = arith.constant 3 : i32
      %add3A_1079 = arith.addi %mul3A_661, %add3A_1078 : i32
      %add3A_1080 = arith.constant 4 : i32
      %add3A_1081 = arith.addi %add3A_1079, %add3A_1080 : i32
      %mul3A_1082 = arith.constant 80 : i32
      %mul3A_1083 = arith.muli %add3A_1081, %mul3A_1082 : i32
      %add3A_1084 = arith.addi %mul3A_2, %mul3A_1083 : i32
      %mul3A_1085 = arith.constant 3 : i32
      %mul3A_1086 = arith.muli %add3A_1084, %mul3A_1085 : i32
      %dma_start3A_1087 = tpu.memref_slice %arg3[%mul3A_1086] : memref<960000xi32, #tpu.memory_space<hbm>> -> memref<240xi32, #tpu.memory_space<hbm>>
      %dma_start3A_1088 = tpu.memref_slice %arg3[%mul3A_1086] : memref<960000xi32, #tpu.memory_space<hbm>> -> memref<240xi32, #tpu.memory_space<hbm>>
      tpu.enqueue_dma source(%dma_start3A_1088 : memref<240xi32, #tpu.memory_space<hbm>>) target(%arg9 : memref<240xi32, #tpu.memory_space<vmem>>) target_semaphore(%arg30 : memref<!tpu.dma_semaphore, #tpu.memory_space<semaphore_mem>>)
      %add3A_1089 = arith.constant 3 : i32
      %add3A_1090 = arith.addi %mul3A_661, %add3A_1089 : i32
      %add3A_1091 = arith.constant 3 : i32
      %add3A_1092 = arith.addi %add3A_1090, %add3A_1091 : i32
      %mul3A_1093 = arith.constant 80 : i32
      %mul3A_1094 = arith.muli %add3A_1092, %mul3A_1093 : i32
      %add3A_1095 = arith.addi %mul3A_2, %mul3A_1094 : i32
      %mul3A_1096 = arith.constant 3 : i32
      %mul3A_1097 = arith.muli %add3A_1095, %mul3A_1096 : i32
      %dma_wait3A_1098 = tpu.memref_slice %arg3[%mul3A_1097] : memref<960000xi32, #tpu.memory_space<hbm>> -> memref<240xi32, #tpu.memory_space<hbm>>
      %dma_wait3A_1099 = tpu.memref_slice %arg3[%mul3A_1097] : memref<960000xi32, #tpu.memory_space<hbm>> -> memref<240xi32, #tpu.memory_space<hbm>>
      tpu.wait_dma2 semaphore(%arg29 : memref<!tpu.dma_semaphore, #tpu.memory_space<semaphore_mem>>) src(%dma_wait3A_1099 : memref<240xi32, #tpu.memory_space<hbm>>) dst(%arg8 : memref<240xi32, #tpu.memory_space<vmem>>)
      %dma_wait3A_1100 = arith.constant 0 : i32
      %dma_wait3A_1101 = arith.constant 0 : i32
      %dma_wait3A_1102 = tpu.memref_slice %arg22[%dma_wait3A_1100, %dma_wait3A_1101] : memref<10112x128xf32, #tpu.memory_space<vmem_shared>> -> memref<10112x128xf32, #tpu.memory_space<vmem_shared>>
      tpu.wait_indirect_dma semaphore(%arg33 : memref<!tpu.dma_semaphore, #tpu.memory_space<semaphore_mem>>) src(%arg20 : memref<80x128xf32, #tpu.memory_space<vmem>>) dst(%dma_wait3A_1102 : memref<10112x128xf32, #tpu.memory_space<vmem_shared>>)
      %get3A_1103 = arith.constant 80 : index
      %get3A_1104 = tpu.vector_load %arg8[%get3A_1103] {strides = array<i32>} : memref<240xi32, #tpu.memory_space<vmem>>, vector<16xi32>,
      %get3A_1105 = vector.shape_cast %get3A_1104 : vector<16xi32> to vector<16xi32>
      %mul3A_1106 = arith.constant 10000 : i32
      %mul3A_1107 = vector.broadcast %mul3A_1106 : i32 to vector<16xi32>
      %mul3A_1108 = arith.muli %get3A_1105, %mul3A_1107 : vector<16xi32>
      %get3A_1109 = arith.constant 0 : index
      %get3A_1110 = tpu.vector_load %arg8[%get3A_1109] {strides = array<i32>} : memref<240xi32, #tpu.memory_space<vmem>>, vector<16xi32>,
      %get3A_1111 = vector.shape_cast %get3A_1110 : vector<16xi32> to vector<16xi32>
      %add3A_1112 = arith.addi %mul3A_1108, %get3A_1111 : vector<16xi32>
      %swap3A_1113 = arith.constant 0 : index
      %swap3A_1114 = tpu.vector_load %arg16[%swap3A_1113] {strides = array<i32>} : memref<80xi32, #tpu.memory_space<vmem>>, vector<16xi32>,
      %swap3A_1115 = vector.shape_cast %swap3A_1114 : vector<16xi32> to vector<16xi32>
      %swap3A_1116 = vector.shape_cast %add3A_1112 : vector<16xi32> to vector<16xi32>
      tpu.vector_store %arg16[%swap3A_1113], %swap3A_1116 {strides = array<i32>} : memref<80xi32, #tpu.memory_space<vmem>>, vector<16xi32>,
      %get3A_1117 = arith.constant 160 : index
      %get3A_1118 = tpu.vector_load %arg8[%get3A_1117] {strides = array<i32>} : memref<240xi32, #tpu.memory_space<vmem>>, vector<16xi32>,
      %get3A_1119 = vector.shape_cast %get3A_1118 : vector<16xi32> to vector<16xi32>
      %swap3A_1120 = arith.constant 0 : index
      %swap3A_1121 = tpu.vector_load %arg12[%swap3A_1120] {strides = array<i32>} : memref<80xi32, #tpu.memory_space<vmem>>, vector<16xi32>,
      %swap3A_1122 = vector.shape_cast %swap3A_1121 : vector<16xi32> to vector<16xi32>
      %swap3A_1123 = vector.shape_cast %get3A_1119 : vector<16xi32> to vector<16xi32>
      tpu.vector_store %arg12[%swap3A_1120], %swap3A_1123 {strides = array<i32>} : memref<80xi32, #tpu.memory_space<vmem>>, vector<16xi32>,
      %get3A_1124 = arith.constant 96 : index
      %get3A_1125 = tpu.vector_load %arg8[%get3A_1124] {strides = array<i32>} : memref<240xi32, #tpu.memory_space<vmem>>, vector<16xi32>,
      %get3A_1126 = vector.shape_cast %get3A_1125 : vector<16xi32> to vector<16xi32>
      %mul3A_1127 = arith.constant 10000 : i32
      %mul3A_1128 = vector.broadcast %mul3A_1127 : i32 to vector<16xi32>
      %mul3A_1129 = arith.muli %get3A_1126, %mul3A_1128 : vector<16xi32>
      %get3A_1130 = arith.constant 16 : index
      %get3A_1131 = tpu.vector_load %arg8[%get3A_1130] {strides = array<i32>} : memref<240xi32, #tpu.memory_space<vmem>>, vector<16xi32>,
      %get3A_1132 = vector.shape_cast %get3A_1131 : vector<16xi32> to vector<16xi32>
      %add3A_1133 = arith.addi %mul3A_1129, %get3A_1132 : vector<16xi32>
      %swap3A_1134 = arith.constant 16 : index
      %swap3A_1135 = tpu.vector_load %arg16[%swap3A_1134] {strides = array<i32>} : memref<80xi32, #tpu.memory_space<vmem>>, vector<16xi32>,
      %swap3A_1136 = vector.shape_cast %swap3A_1135 : vector<16xi32> to vector<16xi32>
      %swap3A_1137 = vector.shape_cast %add3A_1133 : vector<16xi32> to vector<16xi32>
      tpu.vector_store %arg16[%swap3A_1134], %swap3A_1137 {strides = array<i32>} : memref<80xi32, #tpu.memory_space<vmem>>, vector<16xi32>,
      %get3A_1138 = arith.constant 176 : index
      %get3A_1139 = tpu.vector_load %arg8[%get3A_1138] {strides = array<i32>} : memref<240xi32, #tpu.memory_space<vmem>>, vector<16xi32>,
      %get3A_1140 = vector.shape_cast %get3A_1139 : vector<16xi32> to vector<16xi32>
      %swap3A_1141 = arith.constant 16 : index
      %swap3A_1142 = tpu.vector_load %arg12[%swap3A_1141] {strides = array<i32>} : memref<80xi32, #tpu.memory_space<vmem>>, vector<16xi32>,
      %swap3A_1143 = vector.shape_cast %swap3A_1142 : vector<16xi32> to vector<16xi32>
      %swap3A_1144 = vector.shape_cast %get3A_1140 : vector<16xi32> to vector<16xi32>
      tpu.vector_store %arg12[%swap3A_1141], %swap3A_1144 {strides = array<i32>} : memref<80xi32, #tpu.memory_space<vmem>>, vector<16xi32>,
      %get3A_1145 = arith.constant 112 : index
      %get3A_1146 = tpu.vector_load %arg8[%get3A_1145] {strides = array<i32>} : memref<240xi32, #tpu.memory_space<vmem>>, vector<16xi32>,
      %get3A_1147 = vector.shape_cast %get3A_1146 : vector<16xi32> to vector<16xi32>
      %mul3A_1148 = arith.constant 10000 : i32
      %mul3A_1149 = vector.broadcast %mul3A_1148 : i32 to vector<16xi32>
      %mul3A_1150 = arith.muli %get3A_1147, %mul3A_1149 : vector<16xi32>
      %get3A_1151 = arith.constant 32 : index
      %get3A_1152 = tpu.vector_load %arg8[%get3A_1151] {strides = array<i32>} : memref<240xi32, #tpu.memory_space<vmem>>, vector<16xi32>,
      %get3A_1153 = vector.shape_cast %get3A_1152 : vector<16xi32> to vector<16xi32>
      %add3A_1154 = arith.addi %mul3A_1150, %get3A_1153 : vector<16xi32>
      %swap3A_1155 = arith.constant 32 : index
      %swap3A_1156 = tpu.vector_load %arg16[%swap3A_1155] {strides = array<i32>} : memref<80xi32, #tpu.memory_space<vmem>>, vector<16xi32>,
      %swap3A_1157 = vector.shape_cast %swap3A_1156 : vector<16xi32> to vector<16xi32>
      %swap3A_1158 = vector.shape_cast %add3A_1154 : vector<16xi32> to vector<16xi32>
      tpu.vector_store %arg16[%swap3A_1155], %swap3A_1158 {strides = array<i32>} : memref<80xi32, #tpu.memory_space<vmem>>, vector<16xi32>,
      %get3A_1159 = arith.constant 192 : index
      %get3A_1160 = tpu.vector_load %arg8[%get3A_1159] {strides = array<i32>} : memref<240xi32, #tpu.memory_space<vmem>>, vector<16xi32>,
      %get3A_1161 = vector.shape_cast %get3A_1160 : vector<16xi32> to vector<16xi32>
      %swap3A_1162 = arith.constant 32 : index
      %swap3A_1163 = tpu.vector_load %arg12[%swap3A_1162] {strides = array<i32>} : memref<80xi32, #tpu.memory_space<vmem>>, vector<16xi32>,
      %swap3A_1164 = vector.shape_cast %swap3A_1163 : vector<16xi32> to vector<16xi32>
      %swap3A_1165 = vector.shape_cast %get3A_1161 : vector<16xi32> to vector<16xi32>
      tpu.vector_store %arg12[%swap3A_1162], %swap3A_1165 {strides = array<i32>} : memref<80xi32, #tpu.memory_space<vmem>>, vector<16xi32>,
      %get3A_1166 = arith.constant 128 : index
      %get3A_1167 = tpu.vector_load %arg8[%get3A_1166] {strides = array<i32>} : memref<240xi32, #tpu.memory_space<vmem>>, vector<16xi32>,
      %get3A_1168 = vector.shape_cast %get3A_1167 : vector<16xi32> to vector<16xi32>
      %mul3A_1169 = arith.constant 10000 : i32
      %mul3A_1170 = vector.broadcast %mul3A_1169 : i32 to vector<16xi32>
      %mul3A_1171 = arith.muli %get3A_1168, %mul3A_1170 : vector<16xi32>
      %get3A_1172 = arith.constant 48 : index
      %get3A_1173 = tpu.vector_load %arg8[%get3A_1172] {strides = array<i32>} : memref<240xi32, #tpu.memory_space<vmem>>, vector<16xi32>,
      %get3A_1174 = vector.shape_cast %get3A_1173 : vector<16xi32> to vector<16xi32>
      %add3A_1175 = arith.addi %mul3A_1171, %get3A_1174 : vector<16xi32>
      %swap3A_1176 = arith.constant 48 : index
      %swap3A_1177 = tpu.vector_load %arg16[%swap3A_1176] {strides = array<i32>} : memref<80xi32, #tpu.memory_space<vmem>>, vector<16xi32>,
      %swap3A_1178 = vector.shape_cast %swap3A_1177 : vector<16xi32> to vector<16xi32>
      %swap3A_1179 = vector.shape_cast %add3A_1175 : vector<16xi32> to vector<16xi32>
      tpu.vector_store %arg16[%swap3A_1176], %swap3A_1179 {strides = array<i32>} : memref<80xi32, #tpu.memory_space<vmem>>, vector<16xi32>,
      %get3A_1180 = arith.constant 208 : index
      %get3A_1181 = tpu.vector_load %arg8[%get3A_1180] {strides = array<i32>} : memref<240xi32, #tpu.memory_space<vmem>>, vector<16xi32>,
      %get3A_1182 = vector.shape_cast %get3A_1181 : vector<16xi32> to vector<16xi32>
      %swap3A_1183 = arith.constant 48 : index
      %swap3A_1184 = tpu.vector_load %arg12[%swap3A_1183] {strides = array<i32>} : memref<80xi32, #tpu.memory_space<vmem>>, vector<16xi32>,
      %swap3A_1185 = vector.shape_cast %swap3A_1184 : vector<16xi32> to vector<16xi32>
      %swap3A_1186 = vector.shape_cast %get3A_1182 : vector<16xi32> to vector<16xi32>
      tpu.vector_store %arg12[%swap3A_1183], %swap3A_1186 {strides = array<i32>} : memref<80xi32, #tpu.memory_space<vmem>>, vector<16xi32>,
      %get3A_1187 = arith.constant 144 : index
      %get3A_1188 = tpu.vector_load %arg8[%get3A_1187] {strides = array<i32>} : memref<240xi32, #tpu.memory_space<vmem>>, vector<16xi32>,
      %get3A_1189 = vector.shape_cast %get3A_1188 : vector<16xi32> to vector<16xi32>
      %mul3A_1190 = arith.constant 10000 : i32
      %mul3A_1191 = vector.broadcast %mul3A_1190 : i32 to vector<16xi32>
      %mul3A_1192 = arith.muli %get3A_1189, %mul3A_1191 : vector<16xi32>
      %get3A_1193 = arith.constant 64 : index
      %get3A_1194 = tpu.vector_load %arg8[%get3A_1193] {strides = array<i32>} : memref<240xi32, #tpu.memory_space<vmem>>, vector<16xi32>,
      %get3A_1195 = vector.shape_cast %get3A_1194 : vector<16xi32> to vector<16xi32>
      %add3A_1196 = arith.addi %mul3A_1192, %get3A_1195 : vector<16xi32>
      %swap3A_1197 = arith.constant 64 : index
      %swap3A_1198 = tpu.vector_load %arg16[%swap3A_1197] {strides = array<i32>} : memref<80xi32, #tpu.memory_space<vmem>>, vector<16xi32>,
      %swap3A_1199 = vector.shape_cast %swap3A_1198 : vector<16xi32> to vector<16xi32>
      %swap3A_1200 = vector.shape_cast %add3A_1196 : vector<16xi32> to vector<16xi32>
      tpu.vector_store %arg16[%swap3A_1197], %swap3A_1200 {strides = array<i32>} : memref<80xi32, #tpu.memory_space<vmem>>, vector<16xi32>,
      %get3A_1201 = arith.constant 224 : index
      %get3A_1202 = tpu.vector_load %arg8[%get3A_1201] {strides = array<i32>} : memref<240xi32, #tpu.memory_space<vmem>>, vector<16xi32>,
      %get3A_1203 = vector.shape_cast %get3A_1202 : vector<16xi32> to vector<16xi32>
      %swap3A_1204 = arith.constant 64 : index
      %swap3A_1205 = tpu.vector_load %arg12[%swap3A_1204] {strides = array<i32>} : memref<80xi32, #tpu.memory_space<vmem>>, vector<16xi32>,
      %swap3A_1206 = vector.shape_cast %swap3A_1205 : vector<16xi32> to vector<16xi32>
      %swap3A_1207 = vector.shape_cast %get3A_1203 : vector<16xi32> to vector<16xi32>
      tpu.vector_store %arg12[%swap3A_1204], %swap3A_1207 {strides = array<i32>} : memref<80xi32, #tpu.memory_space<vmem>>, vector<16xi32>,
      %dma_start3A_1208 = arith.constant 0 : i32
      %dma_start3A_1209 = arith.constant 0 : i32
      %dma_start3A_1210 = tpu.memref_slice %arg2[%dma_start3A_1208, %dma_start3A_1209] : memref<80000x128xf32, #tpu.memory_space<hbm>> -> memref<80000x128xf32, #tpu.memory_space<hbm>>
      tpu.enqueue_indirect_dma source(%dma_start3A_1210 : memref<80000x128xf32, #tpu.memory_space<hbm>>) target(%arg20 : memref<80x128xf32, #tpu.memory_space<vmem>>) offsets(%arg16 : memref<80xi32, #tpu.memory_space<vmem>>) semaphore(%arg25 : memref<!tpu.dma_semaphore, #tpu.memory_space<semaphore_mem>>)
      %dma_wait3A_1211 = arith.constant 0 : i32
      %dma_wait3A_1212 = arith.constant 0 : i32
      %dma_wait3A_1213 = tpu.memref_slice %arg2[%dma_wait3A_1211, %dma_wait3A_1212] : memref<80000x128xf32, #tpu.memory_space<hbm>> -> memref<80000x128xf32, #tpu.memory_space<hbm>>
      tpu.wait_indirect_dma semaphore(%arg26 : memref<!tpu.dma_semaphore, #tpu.memory_space<semaphore_mem>>) src(%dma_wait3A_1213 : memref<80000x128xf32, #tpu.memory_space<hbm>>) dst(%arg21 : memref<80x128xf32, #tpu.memory_space<vmem>>)
      %dma_start3A_1214 = arith.constant 0 : i32
      %dma_start3A_1215 = arith.constant 0 : i32
      %dma_start3A_1216 = tpu.memref_slice %arg22[%dma_start3A_1214, %dma_start3A_1215] : memref<10112x128xf32, #tpu.memory_space<vmem_shared>> -> memref<10112x128xf32, #tpu.memory_space<vmem_shared>>
      tpu.enqueue_indirect_dma source(%arg21 : memref<80x128xf32, #tpu.memory_space<vmem>>) target(%dma_start3A_1216 : memref<10112x128xf32, #tpu.memory_space<vmem_shared>>) offsets(%arg13 : memref<80xi32, #tpu.memory_space<vmem>>) semaphore(%arg34 : memref<!tpu.dma_semaphore, #tpu.memory_space<semaphore_mem>>) {add = true}
    }
    %scan3A_370 = arith.constant 30 : i32
    %add3A_371 = arith.constant 9920 : i32
    %add3A_372 = arith.addi %mul3A_2, %add3A_371 : i32
    %mul3A_373 = arith.constant 3 : i32
    %mul3A_374 = arith.muli %add3A_372, %mul3A_373 : i32
    %dma_start3A_375 = tpu.memref_slice %arg3[%mul3A_374] : memref<960000xi32, #tpu.memory_space<hbm>> -> memref<240xi32, #tpu.memory_space<hbm>>
    %dma_start3A_376 = tpu.memref_slice %arg3[%mul3A_374] : memref<960000xi32, #tpu.memory_space<hbm>> -> memref<240xi32, #tpu.memory_space<hbm>>
    tpu.enqueue_dma source(%dma_start3A_376 : memref<240xi32, #tpu.memory_space<hbm>>) target(%arg6 : memref<240xi32, #tpu.memory_space<vmem>>) target_semaphore(%arg27 : memref<!tpu.dma_semaphore, #tpu.memory_space<semaphore_mem>>)
    %add3A_377 = arith.constant 9840 : i32
    %add3A_378 = arith.addi %mul3A_2, %add3A_377 : i32
    %mul3A_379 = arith.constant 3 : i32
    %mul3A_380 = arith.muli %add3A_378, %mul3A_379 : i32
    %dma_wait3A_381 = tpu.memref_slice %arg3[%mul3A_380] : memref<960000xi32, #tpu.memory_space<hbm>> -> memref<240xi32, #tpu.memory_space<hbm>>
    %dma_wait3A_382 = tpu.memref_slice %arg3[%mul3A_380] : memref<960000xi32, #tpu.memory_space<hbm>> -> memref<240xi32, #tpu.memory_space<hbm>>
    tpu.wait_dma2 semaphore(%arg30 : memref<!tpu.dma_semaphore, #tpu.memory_space<semaphore_mem>>) src(%dma_wait3A_382 : memref<240xi32, #tpu.memory_space<hbm>>) dst(%arg9 : memref<240xi32, #tpu.memory_space<vmem>>)
    %dma_wait3A_383 = arith.constant 0 : i32
    %dma_wait3A_384 = arith.constant 0 : i32
    %dma_wait3A_385 = tpu.memref_slice %arg22[%dma_wait3A_383, %dma_wait3A_384] : memref<10112x128xf32, #tpu.memory_space<vmem_shared>> -> memref<10112x128xf32, #tpu.memory_space<vmem_shared>>
    tpu.wait_indirect_dma semaphore(%arg34 : memref<!tpu.dma_semaphore, #tpu.memory_space<semaphore_mem>>) src(%arg21 : memref<80x128xf32, #tpu.memory_space<vmem>>) dst(%dma_wait3A_385 : memref<10112x128xf32, #tpu.memory_space<vmem_shared>>)
    %get3A_386 = arith.constant 80 : index
    %get3A_387 = tpu.vector_load %arg9[%get3A_386] {strides = array<i32>} : memref<240xi32, #tpu.memory_space<vmem>>, vector<16xi32>,
    %get3A_388 = vector.shape_cast %get3A_387 : vector<16xi32> to vector<16xi32>
    %mul3A_389 = arith.constant 10000 : i32
    %mul3A_390 = vector.broadcast %mul3A_389 : i32 to vector<16xi32>
    %mul3A_391 = arith.muli %get3A_388, %mul3A_390 : vector<16xi32>
    %get3A_392 = arith.constant 0 : index
    %get3A_393 = tpu.vector_load %arg9[%get3A_392] {strides = array<i32>} : memref<240xi32, #tpu.memory_space<vmem>>, vector<16xi32>,
    %get3A_394 = vector.shape_cast %get3A_393 : vector<16xi32> to vector<16xi32>
    %add3A_395 = arith.addi %mul3A_391, %get3A_394 : vector<16xi32>
    %swap3A_396 = arith.constant 0 : index
    %swap3A_397 = tpu.vector_load %arg17[%swap3A_396] {strides = array<i32>} : memref<80xi32, #tpu.memory_space<vmem>>, vector<16xi32>,
    %swap3A_398 = vector.shape_cast %swap3A_397 : vector<16xi32> to vector<16xi32>
    %swap3A_399 = vector.shape_cast %add3A_395 : vector<16xi32> to vector<16xi32>
    tpu.vector_store %arg17[%swap3A_396], %swap3A_399 {strides = array<i32>} : memref<80xi32, #tpu.memory_space<vmem>>, vector<16xi32>,
    %get3A_400 = arith.constant 160 : index
    %get3A_401 = tpu.vector_load %arg9[%get3A_400] {strides = array<i32>} : memref<240xi32, #tpu.memory_space<vmem>>, vector<16xi32>,
    %get3A_402 = vector.shape_cast %get3A_401 : vector<16xi32> to vector<16xi32>
    %swap3A_403 = arith.constant 0 : index
    %swap3A_404 = tpu.vector_load %arg13[%swap3A_403] {strides = array<i32>} : memref<80xi32, #tpu.memory_space<vmem>>, vector<16xi32>,
    %swap3A_405 = vector.shape_cast %swap3A_404 : vector<16xi32> to vector<16xi32>
    %swap3A_406 = vector.shape_cast %get3A_402 : vector<16xi32> to vector<16xi32>
    tpu.vector_store %arg13[%swap3A_403], %swap3A_406 {strides = array<i32>} : memref<80xi32, #tpu.memory_space<vmem>>, vector<16xi32>,
    %get3A_407 = arith.constant 96 : index
    %get3A_408 = tpu.vector_load %arg9[%get3A_407] {strides = array<i32>} : memref<240xi32, #tpu.memory_space<vmem>>, vector<16xi32>,
    %get3A_409 = vector.shape_cast %get3A_408 : vector<16xi32> to vector<16xi32>
    %mul3A_410 = arith.constant 10000 : i32
    %mul3A_411 = vector.broadcast %mul3A_410 : i32 to vector<16xi32>
    %mul3A_412 = arith.muli %get3A_409, %mul3A_411 : vector<16xi32>
    %get3A_413 = arith.constant 16 : index
    %get3A_414 = tpu.vector_load %arg9[%get3A_413] {strides = array<i32>} : memref<240xi32, #tpu.memory_space<vmem>>, vector<16xi32>,
    %get3A_415 = vector.shape_cast %get3A_414 : vector<16xi32> to vector<16xi32>
    %add3A_416 = arith.addi %mul3A_412, %get3A_415 : vector<16xi32>
    %swap3A_417 = arith.constant 16 : index
    %swap3A_418 = tpu.vector_load %arg17[%swap3A_417] {strides = array<i32>} : memref<80xi32, #tpu.memory_space<vmem>>, vector<16xi32>,
    %swap3A_419 = vector.shape_cast %swap3A_418 : vector<16xi32> to vector<16xi32>
    %swap3A_420 = vector.shape_cast %add3A_416 : vector<16xi32> to vector<16xi32>
    tpu.vector_store %arg17[%swap3A_417], %swap3A_420 {strides = array<i32>} : memref<80xi32, #tpu.memory_space<vmem>>, vector<16xi32>,
    %get3A_421 = arith.constant 176 : index
    %get3A_422 = tpu.vector_load %arg9[%get3A_421] {strides = array<i32>} : memref<240xi32, #tpu.memory_space<vmem>>, vector<16xi32>,
    %get3A_423 = vector.shape_cast %get3A_422 : vector<16xi32> to vector<16xi32>
    %swap3A_424 = arith.constant 16 : index
    %swap3A_425 = tpu.vector_load %arg13[%swap3A_424] {strides = array<i32>} : memref<80xi32, #tpu.memory_space<vmem>>, vector<16xi32>,
    %swap3A_426 = vector.shape_cast %swap3A_425 : vector<16xi32> to vector<16xi32>
    %swap3A_427 = vector.shape_cast %get3A_423 : vector<16xi32> to vector<16xi32>
    tpu.vector_store %arg13[%swap3A_424], %swap3A_427 {strides = array<i32>} : memref<80xi32, #tpu.memory_space<vmem>>, vector<16xi32>,
    %get3A_428 = arith.constant 112 : index
    %get3A_429 = tpu.vector_load %arg9[%get3A_428] {strides = array<i32>} : memref<240xi32, #tpu.memory_space<vmem>>, vector<16xi32>,
    %get3A_430 = vector.shape_cast %get3A_429 : vector<16xi32> to vector<16xi32>
    %mul3A_431 = arith.constant 10000 : i32
    %mul3A_432 = vector.broadcast %mul3A_431 : i32 to vector<16xi32>
    %mul3A_433 = arith.muli %get3A_430, %mul3A_432 : vector<16xi32>
    %get3A_434 = arith.constant 32 : index
    %get3A_435 = tpu.vector_load %arg9[%get3A_434] {strides = array<i32>} : memref<240xi32, #tpu.memory_space<vmem>>, vector<16xi32>,
    %get3A_436 = vector.shape_cast %get3A_435 : vector<16xi32> to vector<16xi32>
    %add3A_437 = arith.addi %mul3A_433, %get3A_436 : vector<16xi32>
    %swap3A_438 = arith.constant 32 : index
    %swap3A_439 = tpu.vector_load %arg17[%swap3A_438] {strides = array<i32>} : memref<80xi32, #tpu.memory_space<vmem>>, vector<16xi32>,
    %swap3A_440 = vector.shape_cast %swap3A_439 : vector<16xi32> to vector<16xi32>
    %swap3A_441 = vector.shape_cast %add3A_437 : vector<16xi32> to vector<16xi32>
    tpu.vector_store %arg17[%swap3A_438], %swap3A_441 {strides = array<i32>} : memref<80xi32, #tpu.memory_space<vmem>>, vector<16xi32>,
    %get3A_442 = arith.constant 192 : index
    %get3A_443 = tpu.vector_load %arg9[%get3A_442] {strides = array<i32>} : memref<240xi32, #tpu.memory_space<vmem>>, vector<16xi32>,
    %get3A_444 = vector.shape_cast %get3A_443 : vector<16xi32> to vector<16xi32>
    %swap3A_445 = arith.constant 32 : index
    %swap3A_446 = tpu.vector_load %arg13[%swap3A_445] {strides = array<i32>} : memref<80xi32, #tpu.memory_space<vmem>>, vector<16xi32>,
    %swap3A_447 = vector.shape_cast %swap3A_446 : vector<16xi32> to vector<16xi32>
    %swap3A_448 = vector.shape_cast %get3A_444 : vector<16xi32> to vector<16xi32>
    tpu.vector_store %arg13[%swap3A_445], %swap3A_448 {strides = array<i32>} : memref<80xi32, #tpu.memory_space<vmem>>, vector<16xi32>,
    %get3A_449 = arith.constant 128 : index
    %get3A_450 = tpu.vector_load %arg9[%get3A_449] {strides = array<i32>} : memref<240xi32, #tpu.memory_space<vmem>>, vector<16xi32>,
    %get3A_451 = vector.shape_cast %get3A_450 : vector<16xi32> to vector<16xi32>
    %mul3A_452 = arith.constant 10000 : i32
    %mul3A_453 = vector.broadcast %mul3A_452 : i32 to vector<16xi32>
    %mul3A_454 = arith.muli %get3A_451, %mul3A_453 : vector<16xi32>
    %get3A_455 = arith.constant 48 : index
    %get3A_456 = tpu.vector_load %arg9[%get3A_455] {strides = array<i32>} : memref<240xi32, #tpu.memory_space<vmem>>, vector<16xi32>,
    %get3A_457 = vector.shape_cast %get3A_456 : vector<16xi32> to vector<16xi32>
    %add3A_458 = arith.addi %mul3A_454, %get3A_457 : vector<16xi32>
    %swap3A_459 = arith.constant 48 : index
    %swap3A_460 = tpu.vector_load %arg17[%swap3A_459] {strides = array<i32>} : memref<80xi32, #tpu.memory_space<vmem>>, vector<16xi32>,
    %swap3A_461 = vector.shape_cast %swap3A_460 : vector<16xi32> to vector<16xi32>
    %swap3A_462 = vector.shape_cast %add3A_458 : vector<16xi32> to vector<16xi32>
    tpu.vector_store %arg17[%swap3A_459], %swap3A_462 {strides = array<i32>} : memref<80xi32, #tpu.memory_space<vmem>>, vector<16xi32>,
    %get3A_463 = arith.constant 208 : index
    %get3A_464 = tpu.vector_load %arg9[%get3A_463] {strides = array<i32>} : memref<240xi32, #tpu.memory_space<vmem>>, vector<16xi32>,
    %get3A_465 = vector.shape_cast %get3A_464 : vector<16xi32> to vector<16xi32>
    %swap3A_466 = arith.constant 48 : index
    %swap3A_467 = tpu.vector_load %arg13[%swap3A_466] {strides = array<i32>} : memref<80xi32, #tpu.memory_space<vmem>>, vector<16xi32>,
    %swap3A_468 = vector.shape_cast %swap3A_467 : vector<16xi32> to vector<16xi32>
    %swap3A_469 = vector.shape_cast %get3A_465 : vector<16xi32> to vector<16xi32>
    tpu.vector_store %arg13[%swap3A_466], %swap3A_469 {strides = array<i32>} : memref<80xi32, #tpu.memory_space<vmem>>, vector<16xi32>,
    %get3A_470 = arith.constant 144 : index
    %get3A_471 = tpu.vector_load %arg9[%get3A_470] {strides = array<i32>} : memref<240xi32, #tpu.memory_space<vmem>>, vector<16xi32>,
    %get3A_472 = vector.shape_cast %get3A_471 : vector<16xi32> to vector<16xi32>
    %mul3A_473 = arith.constant 10000 : i32
    %mul3A_474 = vector.broadcast %mul3A_473 : i32 to vector<16xi32>
    %mul3A_475 = arith.muli %get3A_472, %mul3A_474 : vector<16xi32>
    %get3A_476 = arith.constant 64 : index
    %get3A_477 = tpu.vector_load %arg9[%get3A_476] {strides = array<i32>} : memref<240xi32, #tpu.memory_space<vmem>>, vector<16xi32>,
    %get3A_478 = vector.shape_cast %get3A_477 : vector<16xi32> to vector<16xi32>
    %add3A_479 = arith.addi %mul3A_475, %get3A_478 : vector<16xi32>
    %swap3A_480 = arith.constant 64 : index
    %swap3A_481 = tpu.vector_load %arg17[%swap3A_480] {strides = array<i32>} : memref<80xi32, #tpu.memory_space<vmem>>, vector<16xi32>,
    %swap3A_482 = vector.shape_cast %swap3A_481 : vector<16xi32> to vector<16xi32>
    %swap3A_483 = vector.shape_cast %add3A_479 : vector<16xi32> to vector<16xi32>
    tpu.vector_store %arg17[%swap3A_480], %swap3A_483 {strides = array<i32>} : memref<80xi32, #tpu.memory_space<vmem>>, vector<16xi32>,
    %get3A_484 = arith.constant 224 : index
    %get3A_485 = tpu.vector_load %arg9[%get3A_484] {strides = array<i32>} : memref<240xi32, #tpu.memory_space<vmem>>, vector<16xi32>,
    %get3A_486 = vector.shape_cast %get3A_485 : vector<16xi32> to vector<16xi32>
    %swap3A_487 = arith.constant 64 : index
    %swap3A_488 = tpu.vector_load %arg13[%swap3A_487] {strides = array<i32>} : memref<80xi32, #tpu.memory_space<vmem>>, vector<16xi32>,
    %swap3A_489 = vector.shape_cast %swap3A_488 : vector<16xi32> to vector<16xi32>
    %swap3A_490 = vector.shape_cast %get3A_486 : vector<16xi32> to vector<16xi32>
    tpu.vector_store %arg13[%swap3A_487], %swap3A_490 {strides = array<i32>} : memref<80xi32, #tpu.memory_space<vmem>>, vector<16xi32>,
    %dma_start3A_491 = arith.constant 0 : i32
    %dma_start3A_492 = arith.constant 0 : i32
    %dma_start3A_493 = tpu.memref_slice %arg2[%dma_start3A_491, %dma_start3A_492] : memref<80000x128xf32, #tpu.memory_space<hbm>> -> memref<80000x128xf32, #tpu.memory_space<hbm>>
    tpu.enqueue_indirect_dma source(%dma_start3A_493 : memref<80000x128xf32, #tpu.memory_space<hbm>>) target(%arg21 : memref<80x128xf32, #tpu.memory_space<vmem>>) offsets(%arg17 : memref<80xi32, #tpu.memory_space<vmem>>) semaphore(%arg26 : memref<!tpu.dma_semaphore, #tpu.memory_space<semaphore_mem>>)
    %dma_wait3A_494 = arith.constant 0 : i32
    %dma_wait3A_495 = arith.constant 0 : i32
    %dma_wait3A_496 = tpu.memref_slice %arg2[%dma_wait3A_494, %dma_wait3A_495] : memref<80000x128xf32, #tpu.memory_space<hbm>> -> memref<80000x128xf32, #tpu.memory_space<hbm>>
    tpu.wait_indirect_dma semaphore(%arg23 : memref<!tpu.dma_semaphore, #tpu.memory_space<semaphore_mem>>) src(%dma_wait3A_496 : memref<80000x128xf32, #tpu.memory_space<hbm>>) dst(%arg18 : memref<80x128xf32, #tpu.memory_space<vmem>>)
    %dma_start3A_497 = arith.constant 0 : i32
    %dma_start3A_498 = arith.constant 0 : i32
    %dma_start3A_499 = tpu.memref_slice %arg22[%dma_start3A_497, %dma_start3A_498] : memref<10112x128xf32, #tpu.memory_space<vmem_shared>> -> memref<10112x128xf32, #tpu.memory_space<vmem_shared>>
    tpu.enqueue_indirect_dma source(%arg18 : memref<80x128xf32, #tpu.memory_space<vmem>>) target(%dma_start3A_499 : memref<10112x128xf32, #tpu.memory_space<vmem_shared>>) offsets(%arg10 : memref<80xi32, #tpu.memory_space<vmem>>) semaphore(%arg31 : memref<!tpu.dma_semaphore, #tpu.memory_space<semaphore_mem>>) {add = true}
    %add3A_500 = arith.constant 9920 : i32
    %add3A_501 = arith.addi %mul3A_2, %add3A_500 : i32
    %mul3A_502 = arith.constant 3 : i32
    %mul3A_503 = arith.muli %add3A_501, %mul3A_502 : i32
    %dma_wait3A_504 = tpu.memref_slice %arg3[%mul3A_503] : memref<960000xi32, #tpu.memory_space<hbm>> -> memref<240xi32, #tpu.memory_space<hbm>>
    %dma_wait3A_505 = tpu.memref_slice %arg3[%mul3A_503] : memref<960000xi32, #tpu.memory_space<hbm>> -> memref<240xi32, #tpu.memory_space<hbm>>
    tpu.wait_dma2 semaphore(%arg27 : memref<!tpu.dma_semaphore, #tpu.memory_space<semaphore_mem>>) src(%dma_wait3A_505 : memref<240xi32, #tpu.memory_space<hbm>>) dst(%arg6 : memref<240xi32, #tpu.memory_space<vmem>>)
    %dma_wait3A_506 = arith.constant 0 : i32
    %dma_wait3A_507 = arith.constant 0 : i32
    %dma_wait3A_508 = tpu.memref_slice %arg22[%dma_wait3A_506, %dma_wait3A_507] : memref<10112x128xf32, #tpu.memory_space<vmem_shared>> -> memref<10112x128xf32, #tpu.memory_space<vmem_shared>>
    tpu.wait_indirect_dma semaphore(%arg31 : memref<!tpu.dma_semaphore, #tpu.memory_space<semaphore_mem>>) src(%arg18 : memref<80x128xf32, #tpu.memory_space<vmem>>) dst(%dma_wait3A_508 : memref<10112x128xf32, #tpu.memory_space<vmem_shared>>)
    %get3A_509 = arith.constant 80 : index
    %get3A_510 = tpu.vector_load %arg6[%get3A_509] {strides = array<i32>} : memref<240xi32, #tpu.memory_space<vmem>>, vector<16xi32>,
    %get3A_511 = vector.shape_cast %get3A_510 : vector<16xi32> to vector<16xi32>
    %mul3A_512 = arith.constant 10000 : i32
    %mul3A_513 = vector.broadcast %mul3A_512 : i32 to vector<16xi32>
    %mul3A_514 = arith.muli %get3A_511, %mul3A_513 : vector<16xi32>
    %get3A_515 = arith.constant 0 : index
    %get3A_516 = tpu.vector_load %arg6[%get3A_515] {strides = array<i32>} : memref<240xi32, #tpu.memory_space<vmem>>, vector<16xi32>,
    %get3A_517 = vector.shape_cast %get3A_516 : vector<16xi32> to vector<16xi32>
    %add3A_518 = arith.addi %mul3A_514, %get3A_517 : vector<16xi32>
    %swap3A_519 = arith.constant 0 : index
    %swap3A_520 = tpu.vector_load %arg14[%swap3A_519] {strides = array<i32>} : memref<80xi32, #tpu.memory_space<vmem>>, vector<16xi32>,
    %swap3A_521 = vector.shape_cast %swap3A_520 : vector<16xi32> to vector<16xi32>
    %swap3A_522 = vector.shape_cast %add3A_518 : vector<16xi32> to vector<16xi32>
    tpu.vector_store %arg14[%swap3A_519], %swap3A_522 {strides = array<i32>} : memref<80xi32, #tpu.memory_space<vmem>>, vector<16xi32>,
    %get3A_523 = arith.constant 160 : index
    %get3A_524 = tpu.vector_load %arg6[%get3A_523] {strides = array<i32>} : memref<240xi32, #tpu.memory_space<vmem>>, vector<16xi32>,
    %get3A_525 = vector.shape_cast %get3A_524 : vector<16xi32> to vector<16xi32>
    %swap3A_526 = arith.constant 0 : index
    %swap3A_527 = tpu.vector_load %arg10[%swap3A_526] {strides = array<i32>} : memref<80xi32, #tpu.memory_space<vmem>>, vector<16xi32>,
    %swap3A_528 = vector.shape_cast %swap3A_527 : vector<16xi32> to vector<16xi32>
    %swap3A_529 = vector.shape_cast %get3A_525 : vector<16xi32> to vector<16xi32>
    tpu.vector_store %arg10[%swap3A_526], %swap3A_529 {strides = array<i32>} : memref<80xi32, #tpu.memory_space<vmem>>, vector<16xi32>,
    %get3A_530 = arith.constant 96 : index
    %get3A_531 = tpu.vector_load %arg6[%get3A_530] {strides = array<i32>} : memref<240xi32, #tpu.memory_space<vmem>>, vector<16xi32>,
    %get3A_532 = vector.shape_cast %get3A_531 : vector<16xi32> to vector<16xi32>
    %mul3A_533 = arith.constant 10000 : i32
    %mul3A_534 = vector.broadcast %mul3A_533 : i32 to vector<16xi32>
    %mul3A_535 = arith.muli %get3A_532, %mul3A_534 : vector<16xi32>
    %get3A_536 = arith.constant 16 : index
    %get3A_537 = tpu.vector_load %arg6[%get3A_536] {strides = array<i32>} : memref<240xi32, #tpu.memory_space<vmem>>, vector<16xi32>,
    %get3A_538 = vector.shape_cast %get3A_537 : vector<16xi32> to vector<16xi32>
    %add3A_539 = arith.addi %mul3A_535, %get3A_538 : vector<16xi32>
    %swap3A_540 = arith.constant 16 : index
    %swap3A_541 = tpu.vector_load %arg14[%swap3A_540] {strides = array<i32>} : memref<80xi32, #tpu.memory_space<vmem>>, vector<16xi32>,
    %swap3A_542 = vector.shape_cast %swap3A_541 : vector<16xi32> to vector<16xi32>
    %swap3A_543 = vector.shape_cast %add3A_539 : vector<16xi32> to vector<16xi32>
    tpu.vector_store %arg14[%swap3A_540], %swap3A_543 {strides = array<i32>} : memref<80xi32, #tpu.memory_space<vmem>>, vector<16xi32>,
    %get3A_544 = arith.constant 176 : index
    %get3A_545 = tpu.vector_load %arg6[%get3A_544] {strides = array<i32>} : memref<240xi32, #tpu.memory_space<vmem>>, vector<16xi32>,
    %get3A_546 = vector.shape_cast %get3A_545 : vector<16xi32> to vector<16xi32>
    %swap3A_547 = arith.constant 16 : index
    %swap3A_548 = tpu.vector_load %arg10[%swap3A_547] {strides = array<i32>} : memref<80xi32, #tpu.memory_space<vmem>>, vector<16xi32>,
    %swap3A_549 = vector.shape_cast %swap3A_548 : vector<16xi32> to vector<16xi32>
    %swap3A_550 = vector.shape_cast %get3A_546 : vector<16xi32> to vector<16xi32>
    tpu.vector_store %arg10[%swap3A_547], %swap3A_550 {strides = array<i32>} : memref<80xi32, #tpu.memory_space<vmem>>, vector<16xi32>,
    %get3A_551 = arith.constant 112 : index
    %get3A_552 = tpu.vector_load %arg6[%get3A_551] {strides = array<i32>} : memref<240xi32, #tpu.memory_space<vmem>>, vector<16xi32>,
    %get3A_553 = vector.shape_cast %get3A_552 : vector<16xi32> to vector<16xi32>
    %mul3A_554 = arith.constant 10000 : i32
    %mul3A_555 = vector.broadcast %mul3A_554 : i32 to vector<16xi32>
    %mul3A_556 = arith.muli %get3A_553, %mul3A_555 : vector<16xi32>
    %get3A_557 = arith.constant 32 : index
    %get3A_558 = tpu.vector_load %arg6[%get3A_557] {strides = array<i32>} : memref<240xi32, #tpu.memory_space<vmem>>, vector<16xi32>,
    %get3A_559 = vector.shape_cast %get3A_558 : vector<16xi32> to vector<16xi32>
    %add3A_560 = arith.addi %mul3A_556, %get3A_559 : vector<16xi32>
    %swap3A_561 = arith.constant 32 : index
    %swap3A_562 = tpu.vector_load %arg14[%swap3A_561] {strides = array<i32>} : memref<80xi32, #tpu.memory_space<vmem>>, vector<16xi32>,
    %swap3A_563 = vector.shape_cast %swap3A_562 : vector<16xi32> to vector<16xi32>
    %swap3A_564 = vector.shape_cast %add3A_560 : vector<16xi32> to vector<16xi32>
    tpu.vector_store %arg14[%swap3A_561], %swap3A_564 {strides = array<i32>} : memref<80xi32, #tpu.memory_space<vmem>>, vector<16xi32>,
    %get3A_565 = arith.constant 192 : index
    %get3A_566 = tpu.vector_load %arg6[%get3A_565] {strides = array<i32>} : memref<240xi32, #tpu.memory_space<vmem>>, vector<16xi32>,
    %get3A_567 = vector.shape_cast %get3A_566 : vector<16xi32> to vector<16xi32>
    %swap3A_568 = arith.constant 32 : index
    %swap3A_569 = tpu.vector_load %arg10[%swap3A_568] {strides = array<i32>} : memref<80xi32, #tpu.memory_space<vmem>>, vector<16xi32>,
    %swap3A_570 = vector.shape_cast %swap3A_569 : vector<16xi32> to vector<16xi32>
    %swap3A_571 = vector.shape_cast %get3A_567 : vector<16xi32> to vector<16xi32>
    tpu.vector_store %arg10[%swap3A_568], %swap3A_571 {strides = array<i32>} : memref<80xi32, #tpu.memory_space<vmem>>, vector<16xi32>,
    %get3A_572 = arith.constant 128 : index
    %get3A_573 = tpu.vector_load %arg6[%get3A_572] {strides = array<i32>} : memref<240xi32, #tpu.memory_space<vmem>>, vector<16xi32>,
    %get3A_574 = vector.shape_cast %get3A_573 : vector<16xi32> to vector<16xi32>
    %mul3A_575 = arith.constant 10000 : i32
    %mul3A_576 = vector.broadcast %mul3A_575 : i32 to vector<16xi32>
    %mul3A_577 = arith.muli %get3A_574, %mul3A_576 : vector<16xi32>
    %get3A_578 = arith.constant 48 : index
    %get3A_579 = tpu.vector_load %arg6[%get3A_578] {strides = array<i32>} : memref<240xi32, #tpu.memory_space<vmem>>, vector<16xi32>,
    %get3A_580 = vector.shape_cast %get3A_579 : vector<16xi32> to vector<16xi32>
    %add3A_581 = arith.addi %mul3A_577, %get3A_580 : vector<16xi32>
    %swap3A_582 = arith.constant 48 : index
    %swap3A_583 = tpu.vector_load %arg14[%swap3A_582] {strides = array<i32>} : memref<80xi32, #tpu.memory_space<vmem>>, vector<16xi32>,
    %swap3A_584 = vector.shape_cast %swap3A_583 : vector<16xi32> to vector<16xi32>
    %swap3A_585 = vector.shape_cast %add3A_581 : vector<16xi32> to vector<16xi32>
    tpu.vector_store %arg14[%swap3A_582], %swap3A_585 {strides = array<i32>} : memref<80xi32, #tpu.memory_space<vmem>>, vector<16xi32>,
    %get3A_586 = arith.constant 208 : index
    %get3A_587 = tpu.vector_load %arg6[%get3A_586] {strides = array<i32>} : memref<240xi32, #tpu.memory_space<vmem>>, vector<16xi32>,
    %get3A_588 = vector.shape_cast %get3A_587 : vector<16xi32> to vector<16xi32>
    %swap3A_589 = arith.constant 48 : index
    %swap3A_590 = tpu.vector_load %arg10[%swap3A_589] {strides = array<i32>} : memref<80xi32, #tpu.memory_space<vmem>>, vector<16xi32>,
    %swap3A_591 = vector.shape_cast %swap3A_590 : vector<16xi32> to vector<16xi32>
    %swap3A_592 = vector.shape_cast %get3A_588 : vector<16xi32> to vector<16xi32>
    tpu.vector_store %arg10[%swap3A_589], %swap3A_592 {strides = array<i32>} : memref<80xi32, #tpu.memory_space<vmem>>, vector<16xi32>,
    %get3A_593 = arith.constant 144 : index
    %get3A_594 = tpu.vector_load %arg6[%get3A_593] {strides = array<i32>} : memref<240xi32, #tpu.memory_space<vmem>>, vector<16xi32>,
    %get3A_595 = vector.shape_cast %get3A_594 : vector<16xi32> to vector<16xi32>
    %mul3A_596 = arith.constant 10000 : i32
    %mul3A_597 = vector.broadcast %mul3A_596 : i32 to vector<16xi32>
    %mul3A_598 = arith.muli %get3A_595, %mul3A_597 : vector<16xi32>
    %get3A_599 = arith.constant 64 : index
    %get3A_600 = tpu.vector_load %arg6[%get3A_599] {strides = array<i32>} : memref<240xi32, #tpu.memory_space<vmem>>, vector<16xi32>,
    %get3A_601 = vector.shape_cast %get3A_600 : vector<16xi32> to vector<16xi32>
    %add3A_602 = arith.addi %mul3A_598, %get3A_601 : vector<16xi32>
    %swap3A_603 = arith.constant 64 : index
    %swap3A_604 = tpu.vector_load %arg14[%swap3A_603] {strides = array<i32>} : memref<80xi32, #tpu.memory_space<vmem>>, vector<16xi32>,
    %swap3A_605 = vector.shape_cast %swap3A_604 : vector<16xi32> to vector<16xi32>
    %swap3A_606 = vector.shape_cast %add3A_602 : vector<16xi32> to vector<16xi32>
    tpu.vector_store %arg14[%swap3A_603], %swap3A_606 {strides = array<i32>} : memref<80xi32, #tpu.memory_space<vmem>>, vector<16xi32>,
    %get3A_607 = arith.constant 224 : index
    %get3A_608 = tpu.vector_load %arg6[%get3A_607] {strides = array<i32>} : memref<240xi32, #tpu.memory_space<vmem>>, vector<16xi32>,
    %get3A_609 = vector.shape_cast %get3A_608 : vector<16xi32> to vector<16xi32>
    %swap3A_610 = arith.constant 64 : index
    %swap3A_611 = tpu.vector_load %arg10[%swap3A_610] {strides = array<i32>} : memref<80xi32, #tpu.memory_space<vmem>>, vector<16xi32>,
    %swap3A_612 = vector.shape_cast %swap3A_611 : vector<16xi32> to vector<16xi32>
    %swap3A_613 = vector.shape_cast %get3A_609 : vector<16xi32> to vector<16xi32>
    tpu.vector_store %arg10[%swap3A_610], %swap3A_613 {strides = array<i32>} : memref<80xi32, #tpu.memory_space<vmem>>, vector<16xi32>,
    %dma_start3A_614 = arith.constant 0 : i32
    %dma_start3A_615 = arith.constant 0 : i32
    %dma_start3A_616 = tpu.memref_slice %arg2[%dma_start3A_614, %dma_start3A_615] : memref<80000x128xf32, #tpu.memory_space<hbm>> -> memref<80000x128xf32, #tpu.memory_space<hbm>>
    tpu.enqueue_indirect_dma source(%dma_start3A_616 : memref<80000x128xf32, #tpu.memory_space<hbm>>) target(%arg18 : memref<80x128xf32, #tpu.memory_space<vmem>>) offsets(%arg14 : memref<80xi32, #tpu.memory_space<vmem>>) semaphore(%arg23 : memref<!tpu.dma_semaphore, #tpu.memory_space<semaphore_mem>>)
    %dma_wait3A_617 = arith.constant 0 : i32
    %dma_wait3A_618 = arith.constant 0 : i32
    %dma_wait3A_619 = tpu.memref_slice %arg2[%dma_wait3A_617, %dma_wait3A_618] : memref<80000x128xf32, #tpu.memory_space<hbm>> -> memref<80000x128xf32, #tpu.memory_space<hbm>>
    tpu.wait_indirect_dma semaphore(%arg24 : memref<!tpu.dma_semaphore, #tpu.memory_space<semaphore_mem>>) src(%dma_wait3A_619 : memref<80000x128xf32, #tpu.memory_space<hbm>>) dst(%arg19 : memref<80x128xf32, #tpu.memory_space<vmem>>)
    %dma_start3A_620 = arith.constant 0 : i32
    %dma_start3A_621 = arith.constant 0 : i32
    %dma_start3A_622 = tpu.memref_slice %arg22[%dma_start3A_620, %dma_start3A_621] : memref<10112x128xf32, #tpu.memory_space<vmem_shared>> -> memref<10112x128xf32, #tpu.memory_space<vmem_shared>>
    tpu.enqueue_indirect_dma source(%arg19 : memref<80x128xf32, #tpu.memory_space<vmem>>) target(%dma_start3A_622 : memref<10112x128xf32, #tpu.memory_space<vmem_shared>>) offsets(%arg11 : memref<80xi32, #tpu.memory_space<vmem>>) semaphore(%arg32 : memref<!tpu.dma_semaphore, #tpu.memory_space<semaphore_mem>>) {add = true}
    %dma_wait3A_623 = arith.constant 0 : i32
    %dma_wait3A_624 = arith.constant 0 : i32
    %dma_wait3A_625 = tpu.memref_slice %arg2[%dma_wait3A_623, %dma_wait3A_624] : memref<80000x128xf32, #tpu.memory_space<hbm>> -> memref<80000x128xf32, #tpu.memory_space<hbm>>
    tpu.wait_indirect_dma semaphore(%arg25 : memref<!tpu.dma_semaphore, #tpu.memory_space<semaphore_mem>>) src(%dma_wait3A_625 : memref<80000x128xf32, #tpu.memory_space<hbm>>) dst(%arg20 : memref<80x128xf32, #tpu.memory_space<vmem>>)
    %dma_start3A_626 = arith.constant 0 : i32
    %dma_start3A_627 = arith.constant 0 : i32
    %dma_start3A_628 = tpu.memref_slice %arg22[%dma_start3A_626, %dma_start3A_627] : memref<10112x128xf32, #tpu.memory_space<vmem_shared>> -> memref<10112x128xf32, #tpu.memory_space<vmem_shared>>
    tpu.enqueue_indirect_dma source(%arg20 : memref<80x128xf32, #tpu.memory_space<vmem>>) target(%dma_start3A_628 : memref<10112x128xf32, #tpu.memory_space<vmem_shared>>) offsets(%arg12 : memref<80xi32, #tpu.memory_space<vmem>>) semaphore(%arg33 : memref<!tpu.dma_semaphore, #tpu.memory_space<semaphore_mem>>) {add = true}
    %dma_wait3A_629 = arith.constant 0 : i32
    %dma_wait3A_630 = arith.constant 0 : i32
    %dma_wait3A_631 = tpu.memref_slice %arg2[%dma_wait3A_629, %dma_wait3A_630] : memref<80000x128xf32, #tpu.memory_space<hbm>> -> memref<80000x128xf32, #tpu.memory_space<hbm>>
    tpu.wait_indirect_dma semaphore(%arg26 : memref<!tpu.dma_semaphore, #tpu.memory_space<semaphore_mem>>) src(%dma_wait3A_631 : memref<80000x128xf32, #tpu.memory_space<hbm>>) dst(%arg21 : memref<80x128xf32, #tpu.memory_space<vmem>>)
    %dma_start3A_632 = arith.constant 0 : i32
    %dma_start3A_633 = arith.constant 0 : i32
    %dma_start3A_634 = tpu.memref_slice %arg22[%dma_start3A_632, %dma_start3A_633] : memref<10112x128xf32, #tpu.memory_space<vmem_shared>> -> memref<10112x128xf32, #tpu.memory_space<vmem_shared>>
    tpu.enqueue_indirect_dma source(%arg21 : memref<80x128xf32, #tpu.memory_space<vmem>>) target(%dma_start3A_634 : memref<10112x128xf32, #tpu.memory_space<vmem_shared>>) offsets(%arg13 : memref<80xi32, #tpu.memory_space<vmem>>) semaphore(%arg34 : memref<!tpu.dma_semaphore, #tpu.memory_space<semaphore_mem>>) {add = true}
    %dma_wait3A_635 = arith.constant 0 : i32
    %dma_wait3A_636 = arith.constant 0 : i32
    %dma_wait3A_637 = tpu.memref_slice %arg2[%dma_wait3A_635, %dma_wait3A_636] : memref<80000x128xf32, #tpu.memory_space<hbm>> -> memref<80000x128xf32, #tpu.memory_space<hbm>>
    tpu.wait_indirect_dma semaphore(%arg23 : memref<!tpu.dma_semaphore, #tpu.memory_space<semaphore_mem>>) src(%dma_wait3A_637 : memref<80000x128xf32, #tpu.memory_space<hbm>>) dst(%arg18 : memref<80x128xf32, #tpu.memory_space<vmem>>)
    %dma_start3A_638 = arith.constant 0 : i32
    %dma_start3A_639 = arith.constant 0 : i32
    %dma_start3A_640 = tpu.memref_slice %arg22[%dma_start3A_638, %dma_start3A_639] : memref<10112x128xf32, #tpu.memory_space<vmem_shared>> -> memref<10112x128xf32, #tpu.memory_space<vmem_shared>>
    tpu.enqueue_indirect_dma source(%arg18 : memref<80x128xf32, #tpu.memory_space<vmem>>) target(%dma_start3A_640 : memref<10112x128xf32, #tpu.memory_space<vmem_shared>>) offsets(%arg10 : memref<80xi32, #tpu.memory_space<vmem>>) semaphore(%arg31 : memref<!tpu.dma_semaphore, #tpu.memory_space<semaphore_mem>>) {add = true}
    %dma_wait3A_641 = arith.constant 0 : i32
    %dma_wait3A_642 = arith.constant 0 : i32
    %dma_wait3A_643 = tpu.memref_slice %arg22[%dma_wait3A_641, %dma_wait3A_642] : memref<10112x128xf32, #tpu.memory_space<vmem_shared>> -> memref<10112x128xf32, #tpu.memory_space<vmem_shared>>
    tpu.wait_indirect_dma semaphore(%arg31 : memref<!tpu.dma_semaphore, #tpu.memory_space<semaphore_mem>>) src(%arg18 : memref<80x128xf32, #tpu.memory_space<vmem>>) dst(%dma_wait3A_643 : memref<10112x128xf32, #tpu.memory_space<vmem_shared>>)
    %dma_wait3A_644 = arith.constant 0 : i32
    %dma_wait3A_645 = arith.constant 0 : i32
    %dma_wait3A_646 = tpu.memref_slice %arg22[%dma_wait3A_644, %dma_wait3A_645] : memref<10112x128xf32, #tpu.memory_space<vmem_shared>> -> memref<10112x128xf32, #tpu.memory_space<vmem_shared>>
    tpu.wait_indirect_dma semaphore(%arg32 : memref<!tpu.dma_semaphore, #tpu.memory_space<semaphore_mem>>) src(%arg19 : memref<80x128xf32, #tpu.memory_space<vmem>>) dst(%dma_wait3A_646 : memref<10112x128xf32, #tpu.memory_space<vmem_shared>>)
    %dma_wait3A_647 = arith.constant 0 : i32
    %dma_wait3A_648 = arith.constant 0 : i32
    %dma_wait3A_649 = tpu.memref_slice %arg22[%dma_wait3A_647, %dma_wait3A_648] : memref<10112x128xf32, #tpu.memory_space<vmem_shared>> -> memref<10112x128xf32, #tpu.memory_space<vmem_shared>>
    tpu.wait_indirect_dma semaphore(%arg33 : memref<!tpu.dma_semaphore, #tpu.memory_space<semaphore_mem>>) src(%arg20 : memref<80x128xf32, #tpu.memory_space<vmem>>) dst(%dma_wait3A_649 : memref<10112x128xf32, #tpu.memory_space<vmem_shared>>)
    %dma_wait3A_650 = arith.constant 0 : i32
    %dma_wait3A_651 = arith.constant 0 : i32
    %dma_wait3A_652 = tpu.memref_slice %arg22[%dma_wait3A_650, %dma_wait3A_651] : memref<10112x128xf32, #tpu.memory_space<vmem_shared>> -> memref<10112x128xf32, #tpu.memory_space<vmem_shared>>
    tpu.wait_indirect_dma semaphore(%arg34 : memref<!tpu.dma_semaphore, #tpu.memory_space<semaphore_mem>>) src(%arg21 : memref<80x128xf32, #tpu.memory_space<vmem>>) dst(%dma_wait3A_652 : memref<10112x128xf32, #tpu.memory_space<vmem_shared>>)
    %barrier3A_653 = arith.constant 0 : index
    tpu.barrier barrier_id(%barrier3A_653)
    %scan3A_654 = arith.constant 0 : i32
    %scan3A_655 = arith.constant 8 : i32
    %scan3A_656 = arith.addi %scan3A_654, %scan3A_655 : i32
    %scan3A_657 = arith.constant 1 : i32
    scf.for %scan3A_659 = %scan3A_654 to %scan3A_656 step %scan3A_657  : i32 {
      %mul3A_660 = arith.constant 16 : i32
      %mul3A_661 = arith.muli %scan3A_659, %mul3A_660 : i32
      %add3A_662 = arith.addi %mul3A_661, %arg1 : i32
      %lt3A = arith.constant 125 : i32
      %lt3A_663 = arith.cmpi slt, %add3A_662, %lt3A : i32
      %convert_element_type3A = arith.extui %lt3A_663 : i1 to i32
      %cond3A = arith.constant 0 : i32
      %cond3A_664 = arith.cmpi ne, %convert_element_type3A, %cond3A : i32
      scf.if %cond3A_664 {
        %mul3A_665 = arith.constant 80 : i32
        %mul3A_666 = arith.muli %add3A_662, %mul3A_665 : i32
        %mul3A_667 = arith.constant 80 : i32
        %mul3A_668 = arith.muli %add3A_662, %mul3A_667 : i32
        "tpu.region"() ({
          %run_scoped3A = tpu.sem_alloc : memref<!tpu.dma_semaphore, #tpu.memory_space<semaphore_mem>>
          %dma_start3A_669 = arith.constant 0 : i32
          %dma_start3A_670 = tpu.memref_slice %arg5[%arg0, %mul3A_668, %dma_start3A_669] : memref<2x10000x128xf32, #tpu.memory_space<hbm>> -> memref<1x80x128xf32, #tpu.memory_space<hbm>>
          %dma_start3A_671 = tpu.memref_squeeze %dma_start3A_670 : memref<1x80x128xf32, #tpu.memory_space<hbm>> -> memref<80x128xf32, #tpu.memory_space<hbm>>
          %dma_start3A_672 = arith.constant 0 : i32
          %dma_start3A_673 = tpu.memref_slice %arg22[%mul3A_666, %dma_start3A_672] : memref<10112x128xf32, #tpu.memory_space<vmem_shared>> -> memref<80x128xf32, #tpu.memory_space<vmem_shared>>
          tpu.enqueue_dma source(%dma_start3A_673 : memref<80x128xf32, #tpu.memory_space<vmem_shared>>) target(%dma_start3A_671 : memref<80x128xf32, #tpu.memory_space<hbm>>) target_semaphore(%run_scoped3A : memref<!tpu.dma_semaphore, #tpu.memory_space<semaphore_mem>>)
          %dma_wait3A_674 = arith.constant 0 : i32
          %dma_wait3A_675 = tpu.memref_slice %arg5[%arg0, %mul3A_668, %dma_wait3A_674] : memref<2x10000x128xf32, #tpu.memory_space<hbm>> -> memref<1x80x128xf32, #tpu.memory_space<hbm>>
          %dma_wait3A_676 = tpu.memref_squeeze %dma_wait3A_675 : memref<1x80x128xf32, #tpu.memory_space<hbm>> -> memref<80x128xf32, #tpu.memory_space<hbm>>
          %dma_wait3A_677 = arith.constant 0 : i32
          %dma_wait3A_678 = tpu.memref_slice %arg22[%mul3A_666, %dma_wait3A_677] : memref<10112x128xf32, #tpu.memory_space<vmem_shared>> -> memref<80x128xf32, #tpu.memory_space<vmem_shared>>
          tpu.wait_dma2 semaphore(%run_scoped3A : memref<!tpu.dma_semaphore, #tpu.memory_space<semaphore_mem>>) src(%dma_wait3A_678 : memref<80x128xf32, #tpu.memory_space<vmem_shared>>) dst(%dma_wait3A_676 : memref<80x128xf32, #tpu.memory_space<hbm>>)
          tpu.yield
        }) : () -> ()
      } else {
      }
    }
    %scan3A_658 = arith.constant 8 : i32
    return
  }
}

module attributes {stable_mosaic.version = 14 : i64} {
  func.func @_project_kernel(%arg0: i32, %arg1: i32, %arg2: memref<8x4xf32, #tpu.memory_space<smem>>, %arg3: memref<4x128x128xf32, #tpu.memory_space<vmem>>, %arg4: memref<2000x128xf32, #tpu.memory_space<vmem>>, %arg5: memref<1x2000x128xf32, #tpu.memory_space<vmem>>) attributes {dimension_semantics = [#tpu.dimension_semantics<arbitrary>, #tpu.dimension_semantics<arbitrary>], iteration_bounds = array<i64: 5, 8>, scalar_prefetch = 0 : i64, scratch_operands = 0 : i64, tpu.core_type = #tpu.core_type<tc>, window_params = [{transform_indices = @transform_0, window_bounds = array<i64: 8, 4>}, {pipeline_mode = #tpu.pipeline_mode<synchronous>, transform_indices = @transform_1, window_bounds = array<i64: 4, 128, 128>}, {transform_indices = @transform_2, window_bounds = array<i64: 2000, 128>}, {transform_indices = @transform_3, window_bounds = array<i64: 1, 2000, 128>}]} {
    %get3A = arith.index_cast %arg1 : i32 to index
    %get3A_0 = arith.constant 0 : index
    %get3A_1 = memref.load %arg2[%get3A, %get3A_0] : memref<8x4xf32, #tpu.memory_space<smem>>
    %get3A_2 = arith.constant 0 : index
    %get3A_3 = arith.constant 0 : index
    %get3A_4 = arith.constant 0 : index
    %get3A_5 = vector.load %arg3[%get3A_2, %get3A_3, %get3A_4] : memref<4x128x128xf32, #tpu.memory_space<vmem>>, vector<1x128x128xf32>
    %get3A_6 = vector.shape_cast %get3A_5 : vector<1x128x128xf32> to vector<128x128xf32>
    %mul3A = vector.broadcast %get3A_1 : f32 to vector<128x128xf32>
    %mul3A_7 = arith.mulf %mul3A, %get3A_6 : vector<128x128xf32>
    %get3A_8 = arith.index_cast %arg1 : i32 to index
    %get3A_9 = arith.constant 1 : index
    %get3A_10 = memref.load %arg2[%get3A_8, %get3A_9] : memref<8x4xf32, #tpu.memory_space<smem>>
    %get3A_11 = arith.constant 1 : index
    %get3A_12 = arith.constant 0 : index
    %get3A_13 = arith.constant 0 : index
    %get3A_14 = vector.load %arg3[%get3A_11, %get3A_12, %get3A_13] : memref<4x128x128xf32, #tpu.memory_space<vmem>>, vector<1x128x128xf32>
    %get3A_15 = vector.shape_cast %get3A_14 : vector<1x128x128xf32> to vector<128x128xf32>
    %mul3A_16 = vector.broadcast %get3A_10 : f32 to vector<128x128xf32>
    %mul3A_17 = arith.mulf %mul3A_16, %get3A_15 : vector<128x128xf32>
    %add3A = arith.addf %mul3A_7, %mul3A_17 : vector<128x128xf32>
    %get3A_18 = arith.index_cast %arg1 : i32 to index
    %get3A_19 = arith.constant 2 : index
    %get3A_20 = memref.load %arg2[%get3A_18, %get3A_19] : memref<8x4xf32, #tpu.memory_space<smem>>
    %get3A_21 = arith.constant 2 : index
    %get3A_22 = arith.constant 0 : index
    %get3A_23 = arith.constant 0 : index
    %get3A_24 = vector.load %arg3[%get3A_21, %get3A_22, %get3A_23] : memref<4x128x128xf32, #tpu.memory_space<vmem>>, vector<1x128x128xf32>
    %get3A_25 = vector.shape_cast %get3A_24 : vector<1x128x128xf32> to vector<128x128xf32>
    %mul3A_26 = vector.broadcast %get3A_20 : f32 to vector<128x128xf32>
    %mul3A_27 = arith.mulf %mul3A_26, %get3A_25 : vector<128x128xf32>
    %add3A_28 = arith.addf %add3A, %mul3A_27 : vector<128x128xf32>
    %get3A_29 = arith.index_cast %arg1 : i32 to index
    %get3A_30 = arith.constant 3 : index
    %get3A_31 = memref.load %arg2[%get3A_29, %get3A_30] : memref<8x4xf32, #tpu.memory_space<smem>>
    %get3A_32 = arith.constant 3 : index
    %get3A_33 = arith.constant 0 : index
    %get3A_34 = arith.constant 0 : index
    %get3A_35 = vector.load %arg3[%get3A_32, %get3A_33, %get3A_34] : memref<4x128x128xf32, #tpu.memory_space<vmem>>, vector<1x128x128xf32>
    %get3A_36 = vector.shape_cast %get3A_35 : vector<1x128x128xf32> to vector<128x128xf32>
    %mul3A_37 = vector.broadcast %get3A_31 : f32 to vector<128x128xf32>
    %mul3A_38 = arith.mulf %mul3A_37, %get3A_36 : vector<128x128xf32>
    %add3A_39 = arith.addf %add3A_28, %mul3A_38 : vector<128x128xf32>
    %get3A_40 = arith.constant 0 : index
    %get3A_41 = arith.constant 0 : index
    %get3A_42 = vector.load %arg4[%get3A_40, %get3A_41] : memref<2000x128xf32, #tpu.memory_space<vmem>>, vector<2000x128xf32>
    %dot_general3A = arith.constant dense<0.000000e+00> : vector<2000x128xf32>
    %dot_general3A_43 = tpu.matmul %get3A_42, %add3A_39, %dot_general3A {dimension_numbers = #tpu.dot_dimension_numbers<[1], [0], [0], [1], [0, 0, 1, 1], [], []>, transpose_lhs_hint = false} : vector<2000x128xf32>, vector<128x128xf32>, vector<2000x128xf32> -> vector<2000x128xf32>
    %swap3A = arith.constant 0 : index
    %swap3A_44 = arith.constant 0 : index
    %swap3A_45 = arith.constant 0 : index
    %swap3A_46 = vector.load %arg5[%swap3A, %swap3A_44, %swap3A_45] : memref<1x2000x128xf32, #tpu.memory_space<vmem>>, vector<1x2000x128xf32>
    %swap3A_47 = vector.shape_cast %swap3A_46 : vector<1x2000x128xf32> to vector<2000x128xf32>
    %swap3A_48 = vector.shape_cast %dot_general3A_43 : vector<2000x128xf32> to vector<1x2000x128xf32>
    tpu.vector_store %arg5[%swap3A, %swap3A_44, %swap3A_45], %swap3A_48 {strides = array<i32>} : memref<1x2000x128xf32, #tpu.memory_space<vmem>>, vector<1x2000x128xf32>,
    return
  }
  func.func @transform_0(%arg0: i32, %arg1: i32) -> (i32, i32) {
    %c0_i32 = arith.constant 0 : i32
    %c0_i32_0 = arith.constant 0 : i32
    %c0_i32_1 = arith.constant 0 : i32
    return %c0_i32, %c0_i32_0 : i32, i32
  }
  func.func @transform_1(%arg0: i32, %arg1: i32) -> (i32, i32, i32) {
    %c0_i32 = arith.constant 0 : i32
    %c0_i32_0 = arith.constant 0 : i32
    %c0_i32_1 = arith.constant 0 : i32
    %c0_i32_2 = arith.constant 0 : i32
    return %c0_i32, %c0_i32_0, %c0_i32_1 : i32, i32, i32
  }
  func.func @transform_2(%arg0: i32, %arg1: i32) -> (i32, i32) {
    %c0_i32 = arith.constant 0 : i32
    %c0_i32_0 = arith.constant 0 : i32
    return %arg0, %c0_i32 : i32, i32
  }
  func.func @transform_3(%arg0: i32, %arg1: i32) -> (i32, i32, i32) {
    %c0_i32 = arith.constant 0 : i32
    %c0_i32_0 = arith.constant 0 : i32
    return %arg1, %arg0, %c0_i32 : i32, i32, i32
  }
}

module attributes {stable_mosaic.version = 14 : i64} {
  func.func @_finalize_kernel(%arg0: i32, %arg1: memref<2x2000x128xf32, #tpu.memory_space<vmem>>, %arg2: memref<2000x128xf32, #tpu.memory_space<vmem>>) attributes {dimension_semantics = [#tpu.dimension_semantics<arbitrary>], iteration_bounds = array<i64: 5>, scalar_prefetch = 0 : i64, scratch_operands = 0 : i64, tpu.core_type = #tpu.core_type<tc>, window_params = [{transform_indices = @transform_0, window_bounds = array<i64: 2, 2000, 128>}, {transform_indices = @transform_1, window_bounds = array<i64: 2000, 128>}]} {
    %get3A = arith.constant 0 : index
    %get3A_0 = arith.constant 0 : index
    %get3A_1 = arith.constant 0 : index
    %get3A_2 = vector.load %arg1[%get3A, %get3A_0, %get3A_1] : memref<2x2000x128xf32, #tpu.memory_space<vmem>>, vector<1x2000x128xf32>
    %get3A_3 = vector.shape_cast %get3A_2 : vector<1x2000x128xf32> to vector<2000x128xf32>
    %get3A_4 = arith.constant 1 : index
    %get3A_5 = arith.constant 0 : index
    %get3A_6 = arith.constant 0 : index
    %get3A_7 = vector.load %arg1[%get3A_4, %get3A_5, %get3A_6] : memref<2x2000x128xf32, #tpu.memory_space<vmem>>, vector<1x2000x128xf32>
    %get3A_8 = vector.shape_cast %get3A_7 : vector<1x2000x128xf32> to vector<2000x128xf32>
    %add3A = arith.addf %get3A_3, %get3A_8 : vector<2000x128xf32>
    %max3A = arith.constant 0.000000e+00 : f32
    %max3A_9 = vector.broadcast %max3A : f32 to vector<2000x128xf32>
    %max3A_10 = arith.maximumf %add3A, %max3A_9 : vector<2000x128xf32>
    %swap3A = arith.constant 0 : index
    %swap3A_11 = arith.constant 0 : index
    %swap3A_12 = vector.load %arg2[%swap3A, %swap3A_11] : memref<2000x128xf32, #tpu.memory_space<vmem>>, vector<2000x128xf32>
    tpu.vector_store %arg2[%swap3A, %swap3A_11], %max3A_10 {strides = array<i32>} : memref<2000x128xf32, #tpu.memory_space<vmem>>, vector<2000x128xf32>,
    return
  }
  func.func @transform_0(%arg0: i32) -> (i32, i32, i32) {
    %c0_i32 = arith.constant 0 : i32
    %c0_i32_0 = arith.constant 0 : i32
    %c0_i32_1 = arith.constant 0 : i32
    return %c0_i32, %arg0, %c0_i32_0 : i32, i32, i32
  }
  func.func @transform_1(%arg0: i32) -> (i32, i32) {
    %c0_i32 = arith.constant 0 : i32
    %c0_i32_0 = arith.constant 0 : i32
    return %arg0, %c0_i32 : i32, i32
  }
}

</mosaic_0001>

<sc_bundles>
// kernel: kernel.5.cloned.1.call-start
scs
__scs_entry_jumppad:
0x0: {  	(pc) =	sbr.rel $0x88, $3  }
0x1: {  	(tag) =	ssettag $0x0;
	lr =	simm.s32 $0x1  }
0x2: {  	[smem:$0x3F9C] =	sst lr;
	_ =	strace $0xD0000000  }
0x3: {  	_ = 	snop  }
0x4: {  	_ = 	snop  }
0x5: {  	_ = 	snop  }
0x6: {  	_ = 	snop  }
0x7: {  	_ = 	snop  }
__scs_overlays_trampoline_lowered:
0x8: {  	[smem:$0x3FAB] =	sst s0  }
0x9: {  	[smem:$0x3FAC] =	sst s1  }
0xa: {  	[smem:$0x3FAD] =	sst s2  }
0xb: {  	[smem:$0x3FAE] =	sst s3  }
0xc: {  	[smem:$0x3FAF] =	sst s4  }
0xd: {  	[smem:$0x3FB0] =	sst s5  }
0xe: {  	[smem:$0x3FB1] =	sst s6  }
0xf: {  	[smem:$0x3FB2] =	sst s7  }
0x10: {  	[smem:$0x3FB3] =	sst s8  }
0x11: {  	[smem:$0x3FB4] =	sst s9;
	s0 =	simm.s32 @!p0 $0x0  }
0x12: {  	s1 =	sld [smem:$0x3F9A];
	s0 =	simm.s32 @p0 $0x1  }
0x13: {  	[smem:$0x3FB5] =	sst s0;
	s0 =	simm.s32 @!p1 $0x0  }
0x14: {  	s2 =	sld [smem:$0x3F99];
	s0 =	simm.s32 @p1 $0x1  }
0x15: {  	[smem:$0x3FB6] =	sst s0;
	s0 =	simm.s32 @!p2 $0x0  }
0x16: {  	s3 =	sld [smem:$0x3FDB];
	s0 =	simm.s32 @p2 $0x1  }
0x17: {  	s4 =	simm.s32 $0x1BF5;
	[smem:$0x3FB8] =	sst s0  }
0x18: {  	s0 =	sld [smem:$0x3F9B];
	_ =	swait.ge [sflag:s4], $0x0  }
0x19: {  	s7 =	sld [smem:$0x3F9C]  }
0x1a: {  	s8 =	sadd.s32 $0xFFFFE003, lr  }
0x1b: {  	s9 =	sadd.s32 $0xFFFFFEF7, lr;
	s5 =	simm.s32 $0xFFFFFFFF;
	p2 =	slt.u32 s8, $0xFFFFF086  }
0x1c: {  	p1 =	slt.u32 s9, $0xF7A;
	s5 =	simm.s32 @!p2 $0x0  }
0x1d: {  	s5 =	simm.s32 @p1 $0x1;
	p0 =	seq.s32 s7, s2  }
0x1e: {  	s7 =	smul.u32 @!p0 $0xF7A, s2;
	p2 =	seq.s32 @!p0 s5, $0x0  }
0x1f: {  	s9 =	smul.u32 $0xF7A, s1;
	s8 =	simm.s32 @!p0 $0x1BF5;
	p2 =	por !p2, p0  }
0x20: {  	[sflag:s8] =	ssyncset.s32 @!p0 $0xFFFFF086;
	s6 =	sadd.s32 @!p0 s3, s7;
	s7 =	simm.s32 @!p0 $0x108  }
0x21: {  	s3 =	sadd.s32 s3, s9;
	s6 =	sadd.s32 @!p0 $0x88, s6;
	s7 =	simm.s32 @p2 $0x1082  }
0x22: {  	[simem:s7], [sflag:s8] =	dma.local @!p0 [hbm:s6], $0xF7A  }
0x23: {  	s9 =	sor.u32 $0xD0000000, s2;
	s6 =	simm.s32 $0x108;
	_ =	swait.ge @!p0 [sflag:s8], $0x0  }
0x24: {  	s3 =	sadd.s32 $0x88, s3;
	s6 =	simm.s32 @!p1 $0x1082;
	[sflag:s4] =	ssyncset.s32 $0xFFFFF086  }
0x25: {  	[simem:s6], [sflag:s4] =	dma.local [hbm:s3], $0xF7A  }
0x26: {  	[smem:$0x3F9C] =	sst s1;
	(tag) =	ssettag s2;
	_ =	strace s9  }
0x27: {  	s1 =	sld [smem:$0x3FAC]  }
0x28: {  	s2 =	sld [smem:$0x3FAD]  }
0x29: {  	s4 =	sld [smem:$0x3FAF]  }
0x2a: {  	p0 =	seq.s32 s5, $0x0;
	s5 =	sld [smem:$0x3FB0]  }
0x2b: {  	s6 =	sld [smem:$0x3FB1]  }
0x2c: {  	s7 =	sld [smem:$0x3FB2]  }
0x2d: {  	s3 =	simm.s32 $0x108;
	s8 =	sld [smem:$0x3FB3]  }
0x2e: {  	s3 =	simm.s32 @!p0 $0x1082;
	s9 =	sld [smem:$0x3FB4]  }
0x2f: {  	lr =	sadd.s32 s0, s3;
	s0 =	sld [smem:$0x3FAB]  }
0x30: {  	s3 =	sld [smem:$0x3FAE]  }
0x31: {  	[smem:$0x3FB7] =	sst s10  }
0x32: {  	s10 =	sld [smem:$0x3FB5];
	_ =	sdelay $0x3  }
0x33: {  	p0 =	seq.s32 s10, $0x1;
	s10 =	sld [smem:$0x3FB7];
	_ =	sdelay $0x3  }
0x34: {  	[smem:$0x3FB7] =	sst s10  }
0x35: {  	s10 =	sld [smem:$0x3FB6];
	_ =	sdelay $0x3  }
0x36: {  	p1 =	seq.s32 s10, $0x1;
	s10 =	sld [smem:$0x3FB7];
	_ =	sdelay $0x3  }
0x37: {  	[smem:$0x3FB7] =	sst s10  }
0x38: {  	s10 =	sld [smem:$0x3FB8]  }
0x39: {  	_ = 	snop;
	(pc) =	sbr.ind lr, $3  }
0x3a: {  	_ = 	snop  }
0x3b: {  	_ = 	snop  }
0x3c: {  	p2 =	seq.s32 s10, $0x1;
	s10 =	sld [smem:$0x3FB7]  }
0x3d: {  	_ =	shalt  }
0x3e: {  	_ =	shalt  }
0x3f: {  	_ =	shalt  }
0x40: {  	_ =	shalt  }
0x41: {  	_ =	shalt  }
0x42: {  	_ =	shalt  }
0x43: {  	_ =	shalt  }
0x44: {  	_ =	shalt  }
0x45: {  	_ =	shalt  }
0x46: {  	_ =	shalt  }
0x47: {  	_ =	shalt  }
0x48: {  	_ =	shalt  }
0x49: {  	_ =	shalt  }
0x4a: {  	_ =	shalt  }
0x4b: {  	_ =	shalt  }
0x4c: {  	_ =	shalt  }
0x4d: {  	_ =	shalt  }
0x4e: {  	_ =	shalt  }
0x4f: {  	_ =	shalt  }
0x50: {  	_ =	shalt  }
0x51: {  	_ =	shalt  }
0x52: {  	_ =	shalt  }
0x53: {  	_ =	shalt  }
0x54: {  	_ =	shalt  }
0x55: {  	_ =	shalt  }
0x56: {  	_ =	shalt  }
0x57: {  	_ =	shalt  }
0x58: {  	_ =	shalt  }
0x59: {  	_ =	shalt  }
0x5a: {  	_ =	shalt  }
0x5b: {  	_ =	shalt  }
0x5c: {  	_ =	shalt  }
0x5d: {  	_ =	shalt  }
0x5e: {  	_ =	shalt  }
0x5f: {  	_ =	shalt  }
0x60: {  	_ =	shalt  }
0x61: {  	_ =	shalt  }
0x62: {  	_ =	shalt  }
0x63: {  	_ =	shalt  }
0x64: {  	_ =	shalt  }
0x65: {  	_ =	shalt  }
0x66: {  	_ =	shalt  }
0x67: {  	_ =	shalt  }
0x68: {  	_ =	shalt  }
0x69: {  	_ =	shalt  }
0x6a: {  	_ =	shalt  }
0x6b: {  	_ =	shalt  }
0x6c: {  	_ =	shalt  }
0x6d: {  	_ =	shalt  }
0x6e: {  	_ =	shalt  }
0x6f: {  	_ =	shalt  }
0x70: {  	_ =	shalt  }
0x71: {  	_ =	shalt  }
0x72: {  	_ =	shalt  }
0x73: {  	_ =	shalt  }
0x74: {  	_ =	shalt  }
0x75: {  	_ =	shalt  }
0x76: {  	_ =	shalt  }
0x77: {  	_ =	shalt  }
0x78: {  	_ =	shalt  }
0x79: {  	_ =	shalt  }
0x7a: {  	_ =	shalt  }
0x7b: {  	_ =	shalt  }
0x7c: {  	_ =	shalt  }
0x7d: {  	_ =	shalt  }
0x7e: {  	_ =	shalt  }
0x7f: {  	_ =	shalt  }
0x80: {  	_ =	shalt  }
0x81: {  	_ =	shalt  }
0x82: {  	_ =	shalt  }
0x83: {  	_ =	shalt  }
0x84: {  	_ =	shalt  }
0x85: {  	_ =	shalt  }
0x86: {  	_ =	shalt  }
0x87: {  	_ =	shalt  }
.Lfunc_end0:
.L_simem_size_0:
called_computation_lowered:
.L_overlay_start_0:
0x88: {  	s2 =	sld [smem:$0x3FD9]  }
0x89: {  	s3 =	sld [smem:$0x3FFE];
	_ =	sdelay $0x1  }
0x8a: {  	s1 =	srdreg.scid  }
0x8b: {  	s0 =	sand.u32 $0x1, s1  }
0x8c: {  	s17 =	sshll.u32 s0, $0xA;
	s2 =	sadd.s32 s3, s2  }
0x8d: {  	s2 =	sadd.s32 s2, s17  }
0x8e: {  	[smem:$0x3FC3] =	sst s2  }
0x8f: {  	_ = 	snop  }
0x90: {  	s2 =	sld [smem:$0x3FD0];
	(tm) =	ssettm $0x1  }
0x91: {  	s18 =	sld [smem:$0x3FFB];
	_ =	sdelay $0x3  }
0x92: {  	_ =	strace s18  }
0x93: {  	s3 =	sld [smem:$0x3FFC];
	_ =	sdelay $0x3  }
0x94: {  	_ =	strace s3  }
0x95: {  	s3 =	sld [smem:$0x3FFD];
	_ =	sdelay $0x3  }
0x96: {  	_ =	strace s3  }
0x97: {  	_ =	strace $0x8FFFFFFF  }
0x98: {  	s19 =	sld [smem:$0x3FDB];
	_ =	sdelay $0x1  }
0x99: {  	s4 =	simm.s32 $_scs_section_size  }
0x9a: {  	s5 =	simm.s32 $_size__tile_overlayer_lowered;
	s6 =	simm.s32 $_tile_overlayer_lowered  }
0x9b: {  	s22 =	simm.s32 $0x1BFF;
	s21 =	sshll.u32 s6, $0x1;
	s3 =	sadd.s32 s4, s19  }
0x9c: {  	s7 =	simm.s32 $0x0;
	s20 =	sshll.u32 s5, $0x1;
	s5 =	sadd.s32 s21, s3  }
0x9d: {  	[timem:s7], [sflag:s22] =	dma.local [hbm:s5], s20  }
0x9e: {  	_ =	swait.ge [sflag:s22], s20  }
0x9f: {  	s4 =	ssub.s32 $0x0, s20;
	[sflag:s22] =	ssyncset.done $0x0  }
0xa0: {  	[sflag:s22] =	ssyncadd.s32 s4;
	_ =	sdelay $0x1  }
0xa1: {  	s23 =	simm.s32 $0x1B8B  }
0xa2: {  	_ =	swait.ge [sflag:s23], $0x1  }
0xa3: {  	[sflag:s23] =	ssyncset.done $0x0  }
0xa4: {  	s25 =	simm.s32 $0x1B8E;
	s24 =	sld [smem:$0x3FFE];
	[sflag:s23] =	ssyncadd.s32 $0xFFFFFFFF  }
0xa5: {  	s26 =	simm.s32 $execute0_lowered;
	[smem:$0x3FD2] =	sst s25  }
0xa6: {  	s5 =	sshll.u32 s26, $0x1;
	_ =	strace $0x80000046;
	[dreg:$0x1] =	wrdreg $0xFFFFFFFF  }
0xa7: {  	s28 =	simm.s32 $_size_execute0_lowered;
	s3 =	sadd.s32 s3, s5;
	[dreg:$0x0] =	wrdreg $0x0  }
0xa8: {  	s5 =	sshll.u32 s28, $0x1;
	[dreg:$0x2] =	wrdreg s3  }
0xa9: {  	[dreg:$0x3] =	wrdreg s5  }
0xaa: {  	[dreg:$0x4] =	wrdreg $0xC0  }
0xab: {  	_ =	task [dreg:s7], $0x5FFFF  }
0xac: {  	[dreg:$0x1] =	wrdreg $0xFFFFFFFF  }
0xad: {  	[dreg:$0x0] =	wrdreg $0x60  }
0xae: {  	[dreg:$0x2] =	wrdreg s24  }
0xaf: {  	[dreg:$0x3] =	wrdreg s2  }
0xb0: {  	[dreg:$0x4] =	wrdreg $0xA8000  }
0xb1: {  	[dreg:$0x5] =	wrdreg $0x9  }
0xb2: {  	_ =	task.clear_ibuf [dreg:s7], $0x6FFFF;
	_ =	strace $0x90000046  }
0xb3: {  	s29 =	simm.s32 $0x9;
	_ =	strace $0x80000048  }
0xb4: {  	_ =	swait.ge [sflag:s29], $0x1  }
0xb5: {  	[sflag:s29] =	ssyncadd.s32 $0xFFFFFFFF  }
0xb6: {  	_ =	strace $0x90000048  }
0xb7: {  	_ =	sfence  }
0xb8: {  	s30 =	sld [smem:$0x0];
	_ =	sdelay $0x2  }
0xb9: {  	s31 =	sshll.u32 s1, $0xD;
	s1 =	sshrl.u32 s1, $0x2  }
0xba: {  	s3 =	sand.u32 $0x4000, s31;
	s1 =	sadd.s32 s1, s30  }
0xbb: {  	s0 =	sor.u32 s3, s0;
	s1 =	sshll.u32 s1, $0x11  }
0xbc: {  	s0 =	sor.u32 s1, s0  }
0xbd: {  	s0 =	sadd.s32 $0x8F2B, s0  }
0xbe: {  	[sflag:s0] =	ssyncadd.remote.s32 $0x1  }
0xbf: {  	_ =	sfence.sel $0xFFFF  }
0xc0: {  	[dreg:$0x0] =	wrdreg $0xFFFFFFFF;
	(pc) =	sbr.abs _section_cstart, $3  }
0xc1: {  	[dreg:$0x1] =	wrdreg $0xFFFFFFFF  }
0xc2: {  	_ =	task.clear_ibuf [dreg:s7], $0x2FFFF;
	_ =	strace $0x9FFFFFFF  }
0xc3: {  	(tm) =	ssettm $0x7FFFFFFF  }
tec
execute0_lowered:
.L_overlay_start_1:
0x0: {  	(tag) =	ssettag $0x1  }
0x1: {  	s0 =	rddreg [dreg:$0x0]  }
0x2: {  	s2 =	rddreg [dreg:$0x1]  }
0x3: {  	s1 =	rddreg [dreg:$0x2];
	s3 =	simm.s32 $0x0;
	s20 =	stileid.u32  }
0x4: {  	s4 =	srdreg.scid;
	s28 =	simm.s32 $0x500;
	s6 =	smul.u32 $0x2800, s20  }
0x5: {  	s29 =	simm.s32 $0xB;
	s10 =	sand.u32 $0x1, s4;
	s18 =	smul.u32 $0x2710, s20  }
0x6: {  	s30 =	simm.s32 $0x4;
	s5 =	sor.u32 $0x10, s20;
	s12 =	smul.u32 $0x138800, s10  }
0x7: {  	[smem:$0x7FF] =	sst s3;
	s13 =	sadd.s32 $0x13BA00, s0;
	s9 =	smul.u32 $0x2800, s5  }
0x8: {  	_ =	strace $0x80000047;
	s4 =	ssub.s32 $0x2, s10;
	s23 =	smul.u32 $0x27100, s10  }
0x9: {  	s8 =	sshll.u32 s10, $0x4;
	s10 =	sor.u32 $0x60, s20;
	s5 =	smul.u32 $0xA000, s5  }
0xa: {  	s7 =	sshrl.u32 s4, $0x1;
	s14 =	sor.u32 s20, s8;
	s8 =	sor.u32 $0x50, s20  }
0xb: {  	s6 =	sadd.s32 s12, s6;
	s4 =	ssub.s32 s4, s7;
	s17 =	smul.u32 $0x2800, s8  }
0xc: {  	s19 =	sadd.s32 s12, s9;
	s9 =	sor.u32 $0x20, s20;
	s8 =	smul.u32 $0xA000, s8  }
0xd: {  	s5 =	sshrl.u32 s5, $0x2;
	s6 =	sshrl.u32 s6, $0x3;
	s22 =	smul.u32 $0x2800, s9  }
0xe: {  	s21 =	sshrl.u32 s19, $0x3;
	s19 =	smul.u32 $0x2800, s10;
	s4 =	smax.u32 s4, $0x1  }
0xf: {  	s5 =	sadd.s32 s5, s1;
	s6 =	sadd.s32 s13, s6;
	[dreg:$0x17] =	wrdreg s4  }
0x10: {  	s7 =	sadd.s32 s13, s21;
	s17 =	sadd.s32 s12, s17;
	[dreg:$0x8] =	wrdreg s6  }
0x11: {  	s8 =	sshrl.u32 s8, $0x2;
	s6 =	sor.u32 $0x30, s20;
	[dreg:$0x9] =	wrdreg s7  }
0x12: {  	s7 =	sor.u32 $0x40, s20;
	s15 =	sadd.s32 s12, s22;
	s11 =	smul.u32 $0x2800, s6  }
0x13: {  	s17 =	sshrl.u32 s17, $0x3;
	s8 =	sadd.s32 s8, s1;
	s16 =	smul.u32 $0x2800, s7  }
0x14: {  	s15 =	sshrl.u32 s15, $0x3;
	s26 =	sadd.s32 s13, s17;
	s7 =	smul.u32 $0xA000, s7  }
0x15: {  	s17 =	sadd.s32 s12, s19;
	[dreg:$0xd] =	wrdreg s26;
	s26 =	smul.u32 $0xEA6, s14  }
0x16: {  	s15 =	sadd.s32 s13, s15;
	s14 =	smul.u32 $0x7530, s14;
	s11 =	sadd.s32 s12, s11  }
0x17: {  	[dreg:$0xa] =	wrdreg s15;
	s16 =	sadd.s32 s12, s16;
	s15 =	sadd.s32 s18, s23  }
0x18: {  	s7 =	sshrl.u32 s7, $0x2;
	s11 =	sshrl.u32 s11, $0x3;
	s16 =	sshrl.u32 s16, $0x3  }
0x19: {  	s15 =	smul.u32 $0x3, s15;
	s7 =	sadd.s32 s7, s1;
	s24 =	sadd.s32 s13, s11  }
0x1a: {  	s11 =	sor.u32 $0x70, s20;
	s16 =	sadd.s32 s13, s16;
	[dreg:$0xb] =	wrdreg s24  }
0x1b: {  	s25 =	smul.u32 $0x2800, s11;
	[dreg:$0xc] =	wrdreg s16;
	s16 =	sshrl.u32 s17, $0x3  }
0x1c: {  	s19 =	sadd.s32 $0x690, s15;
	s23 =	sadd.s32 $0x5A0, s15;
	s17 =	smul.u32 $0x4F000, s20  }
0x1d: {  	s18 =	sadd.s32 $0x3C0, s15;
	p0 =	sgt.u32 s11, $0x7C;
	s16 =	sadd.s32 s13, s16  }
0x1e: {  	s21 =	sshrl.u32 s19, $0x3;
	s24 =	sshrl.u32 s23, $0x3;
	s19 =	sadd.s32 s2, s26  }
0x1f: {  	s23 =	sshll.u32 s20, $0x6;
	s12 =	sadd.s32 s12, s25;
	[dreg:$0xe] =	wrdreg s16  }
0x20: {  	s22 =	sadd.s32 s21, s2;
	s25 =	sadd.s32 $0x4B0, s15;
	s15 =	smul.u32 $0xA000, s20  }
0x21: {  	[dreg:$0x10] =	wrdreg s19;
	s21 =	sshrl.u32 s17, $0x2;
	s16 =	smul.u32 $0xA000, s6  }
0x22: {  	s31 =	sor.u32 $0x1C0D, s23;
	s19 =	smul.u32 $0xA000, s11;
	s11 =	simm.s32 $0x3000  }
0x23: {  	s12 =	sshrl.u32 s12, $0x3;
	[dreg:$0x4] =	wrdreg s22;
	s22 =	sadd.s32 s21, s1  }
0x24: {  	s21 =	sshrl.u32 s5, $0x3;
	s5 =	simm.s32 $0x5;
	[dreg:$0x12] =	wrdreg s31  }
0x25: {  	s12 =	sadd.s32 s13, s12;
	s13 =	sshrl.u32 s25, $0x3;
	s17 =	sshrl.u32 s15, $0x2  }
0x26: {  	s4 =	sshrl.u32 s16, $0x2;
	[dreg:$0x1a] =	wrdreg s21;
	s16 =	simm.s32 $0x5800  }
0x27: {  	s21 =	simm.s32 $0x400;
	s15 =	simm.s32 $0x580;
	[dreg:$0xf] =	wrdreg s12  }
0x28: {  	s12 =	sadd.s32 s24, s2;
	s13 =	sadd.s32 s13, s2;
	s24 =	smul.u32 $0xA000, s9  }
0x29: {  	s6 =	sadd.s32 s17, s1;
	s4 =	sadd.s32 s4, s1;
	[dreg:$0x5] =	wrdreg s12  }
0x2a: {  	s17 =	simm.s32 $0x8;
	[dreg:$0x6] =	wrdreg s13;
	s12 =	sshrl.u32 s14, $0x3  }
0x2b: {  	s14 =	sshrl.u32 s18, $0x3;
	s13 =	sadd.s32 $0xA00, s0;
	s0 =	sadd.s32 $0x139200, s0  }
0x2c: {  	s18 =	smul.u32 $0xA000, s10;
	s10 =	sshrl.u32 s19, $0x2;
	s20 =	sshrl.u32 s6, $0x3  }
0x2d: {  	s23 =	sshrl.u32 s4, $0x3;
	s6 =	simm.s32 $0x50;
	s19 =	simm.s32 $0x8000  }
0x2e: {  	s12 =	sadd.s32 s2, s12;
	s2 =	sadd.s32 s14, s2;
	[dreg:$0x11] =	wrdreg s0  }
0x2f: {  	s10 =	sadd.s32 s10, s1;
	s0 =	sshrl.u32 s22, $0x3;
	[dreg:$0x19] =	wrdreg s20  }
0x30: {  	[dreg:$0x1c] =	wrdreg s23;
	s20 =	simm.s32 $0x1;
	s23 =	simm.s32 $0x2  }
0x31: {  	[dreg:$0x7] =	wrdreg s2;
	s25 =	sadd.s32 $0x1E, s12;
	s26 =	sadd.s32 $0x3C, s12  }
0x32: {  	s14 =	sadd.s32 $0x5A, s12;
	s12 =	sadd.s32 $0xE88, s12;
	[dreg:$0x18] =	wrdreg s0  }
0x33: {  	s2 =	sshrl.u32 s24, $0x2;
	s9 =	sshrl.u32 s18, $0x2;
	[dreg:$0x13] =	wrdreg s25  }
0x34: {  	s24 =	sshrl.u32 s7, $0x3;
	s0 =	sshrl.u32 @!p0 s10, $0x3;
	[dreg:$0x14] =	wrdreg s26  }
0x35: {  	s7 =	simm.s32 $0x480;
	s10 =	simm.s32 $0x300;
	[dreg:$0x15] =	wrdreg s14  }
0x36: {  	s18 =	simm.s32 $0x700;
	[dreg:$0x16] =	wrdreg s12;
	s2 =	sadd.s32 s2, s1  }
0x37: {  	s9 =	sadd.s32 s9, s1;
	[dreg:$0x1d] =	wrdreg s24;
	s25 =	sshrl.u32 s8, $0x3  }
0x38: {  	[smem:$0x7FD] =	sst s0;
	s0 =	simm.s32 $0x100;
	s8 =	simm.s32 $0x800  }
0x39: {  	s12 =	simm.s32 $0x7;
	s24 =	simm.s32 $0x780;
	s22 =	sshrl.u32 s2, $0x3  }
0x3a: {  	[dreg:$0x1e] =	wrdreg s25;
	s26 =	sshrl.u32 s9, $0x3;
	s9 =	simm.s32 $0x6  }
0x3b: {  	s25 =	simm.s32 $0xA;
	s2 =	simm.s32 $0x0;
	[dreg:$0x1b] =	wrdreg s22  }
0x3c: {  	[dreg:$0x1f] =	wrdreg s26;
	s22 =	simm.s32 $0x9;
	s26 =	simm.s32 $0x3  }
.LBB2_1:
0x3d: {  	[smem:$0x7FC] =	sst s2  }
0x3e: {  	s4 =	rddreg [dreg:$0x10]  }
0x3f: {  	s14 =	rddreg [dreg:$0x13]  }
0x40: {  	[tilespmem:s3], [sflag:$0x5] =	stream.linear.gather [hbm4b:s4+s3], $0xF0, $0x38;
	[tilespmem:$0x1E400] =	vst v63  }
0x41: {  	s4 =	rddreg [dreg:$0x11]  }
0x42: {  	[tilespmem:s0], [sflag:$0x6] =	stream.linear.gather [hbm4b:s14+s3], $0xF0, $0x38;
	[tilespmem:$0x1E400] =	vst v63  }
0x43: {  	s2 =	simm.s32 $0x200;
	s0 =	rddreg [dreg:$0x14]  }
0x44: {  	[tilespmem:s2], [sflag:$0x7] =	stream.linear.gather [hbm4b:s0+s3], $0xF0, $0x38;
	[tilespmem:$0x1E400] =	vst v63  }
0x45: {  	s0 =	rddreg [dreg:$0x15]  }
0x46: {  	[tilespmem:s10], [sflag:$0x8] =	stream.linear.gather [hbm4b:s0+s3], $0xF0, $0x38;
	[tilespmem:$0x1E400] =	vst v63  }
0x47: {  	s14 =	simm.s32 $0xD;
	s0 =	rddreg [dreg:$0x18]  }
0x48: {  	[spmem:s0], [sflag:s31] =	dma.local [hbm:s4], $0x2780  }
0x49: {  	_ =	swait.ge [sflag:s14], $0x2780  }
0x4a: {  	[sflag:s14] =	ssyncset.done $0x0  }
0x4b: {  	[sflag:s14] =	ssyncadd.s32 $0xFFFFD880  }
0x4c: {  	[bflag:$0x0] =	sbarrier.arrive $0xFFFF  }
0x4d: {  	_ =	swait.ge [sflag:s5], $0xF0  }
0x4e: {  	[sflag:s5] =	ssyncset.done $0x0  }
0x4f: {  	[sflag:s5] =	ssyncadd.s32 $0xFFFFFF10  }
0x50: {  	v0 =	vld [tilespmem:$0x50]  }
0x51: {  	v1 =	vld [tilespmem:$0x0]  }
0x52: {  	v2 =	vld [tilespmem:$0xA0]  }
0x53: {  	v3 =	vld [tilespmem:$0x60]  }
0x54: {  	v4 =	vld [tilespmem:$0x10]  }
0x55: {  	v5 =	vld [tilespmem:$0xB0]  }
0x56: {  	v6 =	vld [tilespmem:$0x70]  }
0x57: {  	v7 =	vld [tilespmem:$0x20]  }
0x58: {  	v8 =	vld [tilespmem:$0xC0]  }
0x59: {  	v24 =	vld [tilespmem:$0xD0]  }
0x5a: {  	v27 =	vld [tilespmem:$0xE0]  }
0x5b: {  	v9 =	vld [tilespmem:$0x80];
	[tilespmem:$0x400] =	vst v2  }
0x5c: {  	v22 =	vld [tilespmem:$0x90];
	[tilespmem:$0x410] =	vst v5  }
0x5d: {  	v21 =	vld [tilespmem:$0x30];
	v0 =	vmul.u32 $0x2710, v0;
	[tilespmem:$0x420] =	vst v8  }
0x5e: {  	v25 =	vld [tilespmem:$0x40];
	v20 =	vmul.u32 $0x2710, v3;
	[tilespmem:$0x430] =	vst v24  }
0x5f: {  	v23 =	vmul.u32 $0x2710, v6;
	[tilespmem:$0x440] =	vst v27;
	v0 =	vadd.s32 v1, v0  }
0x60: {  	v26 =	vmul.u32 $0x2710, v9;
	v1 =	vadd.s32 v4, v20;
	[tilespmem:$0x600] =	vst v0  }
0x61: {  	v2 =	vadd.s32 v7, v23;
	[tilespmem:$0x610] =	vst v1;
	v0 =	vmul.u32 $0x2710, v22  }
0x62: {  	v3 =	vadd.s32 v21, v26;
	[tilespmem:$0x620] =	vst v2  }
0x63: {  	[tilespmem:$0x630] =	vst v3;
	v0 =	vadd.s32 v25, v0  }
0x64: {  	s31 =	simm.s32 $0x600;
	[tilespmem:$0x640] =	vst v0  }
0x65: {  	[tilespmem:s8], [sflag:$0x1] =	stream.indirect.gather [hbm4b:s13+s6], $0x80, s31, s6, $0xb8;
	[tilespmem:$0x1E400] =	vst v63  }
0x66: {  	_ =	swait.ge [sflag:s9], $0xF0  }
0x67: {  	[sflag:s9] =	ssyncset.done $0x0  }
0x68: {  	[sflag:s9] =	ssyncadd.s32 $0xFFFFFF10  }
0x69: {  	v28 =	vld [tilespmem:$0x150]  }
0x6a: {  	v29 =	vld [tilespmem:$0x100]  }
0x6b: {  	v30 =	vld [tilespmem:$0x1A0]  }
0x6c: {  	v31 =	vld [tilespmem:$0x160]  }
0x6d: {  	v32 =	vld [tilespmem:$0x110]  }
0x6e: {  	v33 =	vld [tilespmem:$0x1B0]  }
0x6f: {  	v34 =	vld [tilespmem:$0x170]  }
0x70: {  	v35 =	vld [tilespmem:$0x120]  }
0x71: {  	v36 =	vld [tilespmem:$0x1C0]  }
0x72: {  	v42 =	vld [tilespmem:$0x1D0]  }
0x73: {  	v45 =	vld [tilespmem:$0x1E0]  }
0x74: {  	v37 =	vld [tilespmem:$0x180];
	[tilespmem:$0x480] =	vst v30  }
0x75: {  	v40 =	vld [tilespmem:$0x190];
	[tilespmem:$0x490] =	vst v33  }
0x76: {  	v39 =	vld [tilespmem:$0x130];
	v0 =	vmul.u32 $0x2710, v28;
	[tilespmem:$0x4A0] =	vst v36  }
0x77: {  	v43 =	vld [tilespmem:$0x140];
	v38 =	vmul.u32 $0x2710, v31;
	[tilespmem:$0x4B0] =	vst v42  }
0x78: {  	v41 =	vmul.u32 $0x2710, v34;
	[tilespmem:$0x4C0] =	vst v45;
	v0 =	vadd.s32 v29, v0  }
0x79: {  	v44 =	vmul.u32 $0x2710, v37;
	v1 =	vadd.s32 v32, v38;
	[tilespmem:$0x680] =	vst v0  }
0x7a: {  	v2 =	vadd.s32 v35, v41;
	[tilespmem:$0x690] =	vst v1;
	v0 =	vmul.u32 $0x2710, v40  }
0x7b: {  	v3 =	vadd.s32 v39, v44;
	[tilespmem:$0x6A0] =	vst v2  }
0x7c: {  	[tilespmem:$0x6B0] =	vst v3;
	v0 =	vadd.s32 v43, v0  }
0x7d: {  	s14 =	simm.s32 $0x680;
	[tilespmem:$0x6C0] =	vst v0  }
0x7e: {  	[tilespmem:s11], [sflag:$0x2] =	stream.indirect.gather [hbm4b:s13+s6], $0x80, s14, s6, $0xb8;
	[tilespmem:$0x1E400] =	vst v63  }
0x7f: {  	_ =	swait.ge [sflag:s12], $0xF0  }
0x80: {  	[sflag:s12] =	ssyncset.done $0x0  }
0x81: {  	[sflag:s12] =	ssyncadd.s32 $0xFFFFFF10  }
0x82: {  	v46 =	vld [tilespmem:$0x250]  }
0x83: {  	v47 =	vld [tilespmem:$0x200]  }
0x84: {  	v48 =	vld [tilespmem:$0x2A0]  }
0x85: {  	v49 =	vld [tilespmem:$0x260]  }
0x86: {  	v50 =	vld [tilespmem:$0x210]  }
0x87: {  	v51 =	vld [tilespmem:$0x2B0]  }
0x88: {  	v52 =	vld [tilespmem:$0x270]  }
0x89: {  	v53 =	vld [tilespmem:$0x220]  }
0x8a: {  	v54 =	vld [tilespmem:$0x2C0]  }
0x8b: {  	v60 =	vld [tilespmem:$0x2D0]  }
0x8c: {  	v63 =	vld [tilespmem:$0x2E0]  }
0x8d: {  	v55 =	vld [tilespmem:$0x280];
	[tilespmem:$0x500] =	vst v48  }
0x8e: {  	v58 =	vld [tilespmem:$0x290];
	[tilespmem:$0x510] =	vst v51  }
0x8f: {  	v57 =	vld [tilespmem:$0x230];
	v0 =	vmul.u32 $0x2710, v46;
	[tilespmem:$0x520] =	vst v54  }
0x90: {  	v61 =	vld [tilespmem:$0x240];
	v56 =	vmul.u32 $0x2710, v49;
	[tilespmem:$0x530] =	vst v60  }
0x91: {  	v59 =	vmul.u32 $0x2710, v52;
	[tilespmem:$0x540] =	vst v63;
	v0 =	vadd.s32 v47, v0  }
0x92: {  	v62 =	vmul.u32 $0x2710, v55;
	v1 =	vadd.s32 v50, v56;
	[tilespmem:$0x700] =	vst v0  }
0x93: {  	v2 =	vadd.s32 v53, v59;
	[tilespmem:$0x710] =	vst v1;
	v0 =	vmul.u32 $0x2710, v58  }
0x94: {  	v3 =	vadd.s32 v57, v62;
	[tilespmem:$0x720] =	vst v2  }
0x95: {  	[tilespmem:$0x730] =	vst v3;
	v0 =	vadd.s32 v61, v0  }
0x96: {  	s0 =	simm.s32 $0x100;
	s4 =	simm.s32 $0x0;
	[tilespmem:$0x740] =	vst v0  }
0x97: {  	[tilespmem:s16], [sflag:$0x3] =	stream.indirect.gather [hbm4b:s13+s6], $0x80, s18, s6, $0xb8;
	[tilespmem:$0x1E400] =	vst v63  }
.LBB2_2:
0x98: {  	s31 =	rddreg [dreg:$0x7]  }
0x99: {  	s31 =	sadd.s32 s4, s31  }
0x9a: {  	[tilespmem:s3], [sflag:$0x5] =	stream.linear.gather [hbm4b:s31+s3], $0xF0, $0x38;
	[tilespmem:$0x1E400] =	vst v63  }
0x9b: {  	_ =	swait.ge [sflag:s17], $0xF0  }
0x9c: {  	p1 =	seq.s32 s4, $0x0;
	[sflag:s17] =	ssyncset.done $0x0  }
0x9d: {  	s31 =	simm.s32 @!p1 $0xC;
	[sflag:s17] =	ssyncadd.s32 $0xFFFFFF10  }
0x9e: {  	_ =	swait.ge @!p1 [sflag:s31], $0x2800  }
0x9f: {  	[sflag:s31] =	ssyncset.done @!p1 $0x0  }
0xa0: {  	[sflag:s31] =	ssyncadd.s32 @!p1 $0xFFFFD800  }
0xa1: {  	v0 =	vld [tilespmem:$0x350]  }
0xa2: {  	v1 =	vld [tilespmem:$0x300]  }
0xa3: {  	v2 =	vld [tilespmem:$0x3A0]  }
0xa4: {  	v3 =	vld [tilespmem:$0x360]  }
0xa5: {  	v4 =	vld [tilespmem:$0x310]  }
0xa6: {  	v5 =	vld [tilespmem:$0x3B0]  }
0xa7: {  	v6 =	vld [tilespmem:$0x370]  }
0xa8: {  	v7 =	vld [tilespmem:$0x320]  }
0xa9: {  	v8 =	vld [tilespmem:$0x3C0]  }
0xaa: {  	v58 =	vld [tilespmem:$0x3D0]  }
0xab: {  	v61 =	vld [tilespmem:$0x3E0]  }
0xac: {  	v9 =	vld [tilespmem:$0x380];
	[tilespmem:$0x580] =	vst v2  }
0xad: {  	v56 =	vld [tilespmem:$0x390];
	[tilespmem:$0x590] =	vst v5  }
0xae: {  	v55 =	vld [tilespmem:$0x330];
	v0 =	vmul.u32 $0x2710, v0;
	[tilespmem:$0x5A0] =	vst v8  }
0xaf: {  	v59 =	vld [tilespmem:$0x340];
	v54 =	vmul.u32 $0x2710, v3;
	[tilespmem:$0x5B0] =	vst v58  }
0xb0: {  	v57 =	vmul.u32 $0x2710, v6;
	[tilespmem:$0x5C0] =	vst v61;
	v0 =	vadd.s32 v1, v0  }
0xb1: {  	v60 =	vmul.u32 $0x2710, v9;
	v1 =	vadd.s32 v4, v54;
	[tilespmem:$0x780] =	vst v0  }
0xb2: {  	v2 =	vadd.s32 v7, v57;
	[tilespmem:$0x790] =	vst v1;
	v0 =	vmul.u32 $0x2710, v56  }
0xb3: {  	v3 =	vadd.s32 v55, v60;
	[tilespmem:$0x7A0] =	vst v2  }
0xb4: {  	[tilespmem:$0x7B0] =	vst v3;
	v0 =	vadd.s32 v59, v0  }
0xb5: {  	[tilespmem:$0x7C0] =	vst v0  }
0xb6: {  	[tilespmem:s19], [sflag:$0x4] =	stream.indirect.gather [hbm4b:s13+s6], $0x80, s24, s6, $0xb8;
	[tilespmem:$0x1E400] =	vst v63  }
0xb7: {  	_ =	swait.ge [sflag:s20], $0x2800  }
0xb8: {  	[sflag:s20] =	ssyncset.done $0x0  }
0xb9: {  	s31 =	rddreg [dreg:$0x6];
	[sflag:s20] =	ssyncadd.s32 $0xFFFFD800  }
0xba: {  	[spmem:s1] =	stream.indirect.scatter.add.f32 [tilespmem:s8], [sflag:$0x9], $0x80, s21, s6, $0xb8;
	[tilespmem:$0x1E400] =	vst v63  }
0xbb: {  	s31 =	sadd.s32 s4, s31  }
0xbc: {  	[tilespmem:s0], [sflag:$0x6] =	stream.linear.gather [hbm4b:s31+s3], $0xF0, $0x38;
	[tilespmem:$0x1E400] =	vst v63  }
0xbd: {  	_ =	swait.ge [sflag:s5], $0xF0  }
0xbe: {  	[sflag:s5] =	ssyncset.done $0x0  }
0xbf: {  	[sflag:s5] =	ssyncadd.s32 $0xFFFFFF10  }
0xc0: {  	_ =	swait.ge [sflag:s22], $0x2800  }
0xc1: {  	[sflag:s22] =	ssyncset.done $0x0  }
0xc2: {  	[sflag:s22] =	ssyncadd.s32 $0xFFFFD800  }
0xc3: {  	v62 =	vld [tilespmem:$0x50]  }
0xc4: {  	v63 =	vld [tilespmem:$0x0]  }
0xc5: {  	v12 =	vld [tilespmem:$0xA0]  }
0xc6: {  	v13 =	vld [tilespmem:$0x60]  }
0xc7: {  	v14 =	vld [tilespmem:$0x10]  }
0xc8: {  	v15 =	vld [tilespmem:$0xB0]  }
0xc9: {  	v16 =	vld [tilespmem:$0x70]  }
0xca: {  	v17 =	vld [tilespmem:$0x20]  }
0xcb: {  	v18 =	vld [tilespmem:$0xC0]  }
0xcc: {  	v24 =	vld [tilespmem:$0xD0]  }
0xcd: {  	v27 =	vld [tilespmem:$0xE0]  }
0xce: {  	v19 =	vld [tilespmem:$0x80];
	[tilespmem:$0x400] =	vst v12  }
0xcf: {  	v22 =	vld [tilespmem:$0x90];
	[tilespmem:$0x410] =	vst v15  }
0xd0: {  	v21 =	vld [tilespmem:$0x30];
	v0 =	vmul.u32 $0x2710, v62;
	[tilespmem:$0x420] =	vst v18  }
0xd1: {  	v25 =	vld [tilespmem:$0x40];
	v20 =	vmul.u32 $0x2710, v13;
	[tilespmem:$0x430] =	vst v24  }
0xd2: {  	v23 =	vmul.u32 $0x2710, v16;
	[tilespmem:$0x440] =	vst v27;
	v0 =	vadd.s32 v63, v0  }
0xd3: {  	v26 =	vmul.u32 $0x2710, v19;
	v1 =	vadd.s32 v14, v20;
	[tilespmem:$0x600] =	vst v0  }
0xd4: {  	v2 =	vadd.s32 v17, v23;
	[tilespmem:$0x610] =	vst v1;
	v0 =	vmul.u32 $0x2710, v22  }
0xd5: {  	v3 =	vadd.s32 v21, v26;
	[tilespmem:$0x620] =	vst v2  }
0xd6: {  	[tilespmem:$0x630] =	vst v3;
	v0 =	vadd.s32 v25, v0  }
0xd7: {  	s31 =	simm.s32 $0x600;
	[tilespmem:$0x640] =	vst v0  }
0xd8: {  	[tilespmem:s8], [sflag:$0x1] =	stream.indirect.gather [hbm4b:s13+s6], $0x80, s31, s6, $0xb8;
	[tilespmem:$0x1E400] =	vst v63  }
0xd9: {  	_ =	swait.ge [sflag:s23], $0x2800  }
0xda: {  	[sflag:s23] =	ssyncset.done $0x0  }
0xdb: {  	s31 =	rddreg [dreg:$0x5];
	[sflag:s23] =	ssyncadd.s32 $0xFFFFD800  }
0xdc: {  	[spmem:s1] =	stream.indirect.scatter.add.f32 [tilespmem:s11], [sflag:$0xA], $0x80, s7, s6, $0xb8;
	[tilespmem:$0x1E400] =	vst v63  }
0xdd: {  	s31 =	sadd.s32 s4, s31  }
0xde: {  	[tilespmem:s2], [sflag:$0x7] =	stream.linear.gather [hbm4b:s31+s3], $0xF0, $0x38;
	[tilespmem:$0x1E400] =	vst v63  }
0xdf: {  	_ =	swait.ge [sflag:s9], $0xF0  }
0xe0: {  	[sflag:s9] =	ssyncset.done $0x0  }
0xe1: {  	[sflag:s9] =	ssyncadd.s32 $0xFFFFFF10  }
0xe2: {  	_ =	swait.ge [sflag:s25], $0x2800  }
0xe3: {  	[sflag:s25] =	ssyncset.done $0x0  }
0xe4: {  	[sflag:s25] =	ssyncadd.s32 $0xFFFFD800  }
0xe5: {  	v28 =	vld [tilespmem:$0x150]  }
0xe6: {  	v29 =	vld [tilespmem:$0x100]  }
0xe7: {  	v30 =	vld [tilespmem:$0x1A0]  }
0xe8: {  	v31 =	vld [tilespmem:$0x160]  }
0xe9: {  	v32 =	vld [tilespmem:$0x110]  }
0xea: {  	v33 =	vld [tilespmem:$0x1B0]  }
0xeb: {  	v34 =	vld [tilespmem:$0x170]  }
0xec: {  	v35 =	vld [tilespmem:$0x120]  }
0xed: {  	v36 =	vld [tilespmem:$0x1C0]  }
0xee: {  	v42 =	vld [tilespmem:$0x1D0]  }
0xef: {  	v45 =	vld [tilespmem:$0x1E0]  }
0xf0: {  	v37 =	vld [tilespmem:$0x180];
	[tilespmem:$0x480] =	vst v30  }
0xf1: {  	v40 =	vld [tilespmem:$0x190];
	[tilespmem:$0x490] =	vst v33  }
0xf2: {  	v39 =	vld [tilespmem:$0x130];
	v0 =	vmul.u32 $0x2710, v28;
	[tilespmem:$0x4A0] =	vst v36  }
0xf3: {  	v43 =	vld [tilespmem:$0x140];
	v38 =	vmul.u32 $0x2710, v31;
	[tilespmem:$0x4B0] =	vst v42  }
0xf4: {  	v41 =	vmul.u32 $0x2710, v34;
	[tilespmem:$0x4C0] =	vst v45;
	v0 =	vadd.s32 v29, v0  }
0xf5: {  	v44 =	vmul.u32 $0x2710, v37;
	v1 =	vadd.s32 v32, v38;
	[tilespmem:$0x680] =	vst v0  }
0xf6: {  	v2 =	vadd.s32 v35, v41;
	[tilespmem:$0x690] =	vst v1;
	v0 =	vmul.u32 $0x2710, v40  }
0xf7: {  	v3 =	vadd.s32 v39, v44;
	[tilespmem:$0x6A0] =	vst v2  }
0xf8: {  	[tilespmem:$0x6B0] =	vst v3;
	v0 =	vadd.s32 v43, v0  }
0xf9: {  	[tilespmem:$0x6C0] =	vst v0  }
0xfa: {  	[tilespmem:s11], [sflag:$0x2] =	stream.indirect.gather [hbm4b:s13+s6], $0x80, s14, s6, $0xb8;
	[tilespmem:$0x1E400] =	vst v63  }
0xfb: {  	_ =	swait.ge [sflag:s26], $0x2800  }
0xfc: {  	[sflag:s26] =	ssyncset.done $0x0  }
0xfd: {  	s31 =	rddreg [dreg:$0x4];
	[sflag:s26] =	ssyncadd.s32 $0xFFFFD800  }
0xfe: {  	[spmem:s1] =	stream.indirect.scatter.add.f32 [tilespmem:s16], [sflag:$0xB], $0x80, s28, s6, $0xb8;
	[tilespmem:$0x1E400] =	vst v63  }
0xff: {  	s31 =	sadd.s32 s4, s31  }
0x100: {  	[tilespmem:s10], [sflag:$0x8] =	stream.linear.gather [hbm4b:s31+s3], $0xF0, $0x38;
	[tilespmem:$0x1E400] =	vst v63  }
0x101: {  	_ =	swait.ge [sflag:s12], $0xF0  }
0x102: {  	[sflag:s12] =	ssyncset.done $0x0  }
0x103: {  	[sflag:s12] =	ssyncadd.s32 $0xFFFFFF10  }
0x104: {  	_ =	swait.ge [sflag:s29], $0x2800  }
0x105: {  	[sflag:s29] =	ssyncset.done $0x0  }
0x106: {  	[sflag:s29] =	ssyncadd.s32 $0xFFFFD800  }
0x107: {  	v46 =	vld [tilespmem:$0x250]  }
0x108: {  	v47 =	vld [tilespmem:$0x200]  }
0x109: {  	v48 =	vld [tilespmem:$0x2A0]  }
0x10a: {  	v49 =	vld [tilespmem:$0x260]  }
0x10b: {  	v50 =	vld [tilespmem:$0x210]  }
0x10c: {  	v51 =	vld [tilespmem:$0x2B0]  }
0x10d: {  	v52 =	vld [tilespmem:$0x270]  }
0x10e: {  	v53 =	vld [tilespmem:$0x220]  }
0x10f: {  	v54 =	vld [tilespmem:$0x2C0]  }
0x110: {  	v60 =	vld [tilespmem:$0x2D0]  }
0x111: {  	v63 =	vld [tilespmem:$0x2E0]  }
0x112: {  	v55 =	vld [tilespmem:$0x280];
	[tilespmem:$0x500] =	vst v48  }
0x113: {  	v58 =	vld [tilespmem:$0x290];
	[tilespmem:$0x510] =	vst v51  }
0x114: {  	v57 =	vld [tilespmem:$0x230];
	v0 =	vmul.u32 $0x2710, v46;
	[tilespmem:$0x520] =	vst v54  }
0x115: {  	v61 =	vld [tilespmem:$0x240];
	v56 =	vmul.u32 $0x2710, v49;
	[tilespmem:$0x530] =	vst v60  }
0x116: {  	v59 =	vmul.u32 $0x2710, v52;
	[tilespmem:$0x540] =	vst v63;
	v0 =	vadd.s32 v47, v0  }
0x117: {  	v62 =	vmul.u32 $0x2710, v55;
	v1 =	vadd.s32 v50, v56;
	[tilespmem:$0x700] =	vst v0  }
0x118: {  	v2 =	vadd.s32 v53, v59;
	[tilespmem:$0x710] =	vst v1;
	v0 =	vmul.u32 $0x2710, v58  }
0x119: {  	v3 =	vadd.s32 v57, v62;
	[tilespmem:$0x720] =	vst v2  }
0x11a: {  	s4 =	sadd.s32 $0x78, s4;
	[tilespmem:$0x730] =	vst v3;
	v0 =	vadd.s32 v61, v0  }
0x11b: {  	p1 =	sne.s32 s4, $0xE10;
	[tilespmem:$0x740] =	vst v0  }
0x11c: {  	[tilespmem:s16], [sflag:$0x3] =	stream.indirect.gather [hbm4b:s13+s6], $0x80, s18, s6, $0xb8;
	[tilespmem:$0x1E400] =	vst v63  }
.Ltmp0:
0x11d: {  	_ = 	snop;
	(pc) =	sbr.rel @p1 .LBB2_2-.Ltmp0, $4  }
0x11e: {  	_ =	swait.ge [sflag:s30], $0x2800  }
0x11f: {  	[sflag:s30] =	ssyncset.done $0x0  }
0x120: {  	[sflag:s30] =	ssyncadd.s32 $0xFFFFD800  }
0x121: {  	[spmem:s1] =	stream.indirect.scatter.add.f32 [tilespmem:s19], [sflag:$0xC], $0x80, s15, s6, $0xb8;
	[tilespmem:$0x1E400] =	vst v63  }
0x122: {  	s4 =	rddreg [dreg:$0x16]  }
0x123: {  	[tilespmem:s3], [sflag:$0x5] =	stream.linear.gather [hbm4b:s4+s3], $0xF0, $0x38;
	[tilespmem:$0x1E400] =	vst v63  }
0x124: {  	_ =	swait.ge [sflag:s17], $0xF0  }
0x125: {  	[sflag:s17] =	ssyncset.done $0x0  }
0x126: {  	s2 =	simm.s32 $0xC;
	[sflag:s17] =	ssyncadd.s32 $0xFFFFFF10  }
0x127: {  	_ =	swait.ge [sflag:s2], $0x2800  }
0x128: {  	[sflag:s2] =	ssyncset.done $0x0  }
0x129: {  	[sflag:s2] =	ssyncadd.s32 $0xFFFFD800  }
0x12a: {  	v0 =	vld [tilespmem:$0x350]  }
0x12b: {  	v1 =	vld [tilespmem:$0x300]  }
0x12c: {  	v2 =	vld [tilespmem:$0x3A0]  }
0x12d: {  	v3 =	vld [tilespmem:$0x360]  }
0x12e: {  	v4 =	vld [tilespmem:$0x310]  }
0x12f: {  	v5 =	vld [tilespmem:$0x3B0]  }
0x130: {  	v6 =	vld [tilespmem:$0x370]  }
0x131: {  	v7 =	vld [tilespmem:$0x320]  }
0x132: {  	v8 =	vld [tilespmem:$0x3C0]  }
0x133: {  	v42 =	vld [tilespmem:$0x3D0]  }
0x134: {  	v45 =	vld [tilespmem:$0x3E0]  }
0x135: {  	v9 =	vld [tilespmem:$0x380];
	[tilespmem:$0x580] =	vst v2  }
0x136: {  	v40 =	vld [tilespmem:$0x390];
	[tilespmem:$0x590] =	vst v5  }
0x137: {  	v39 =	vld [tilespmem:$0x330];
	v0 =	vmul.u32 $0x2710, v0;
	[tilespmem:$0x5A0] =	vst v8  }
0x138: {  	v43 =	vld [tilespmem:$0x340];
	v38 =	vmul.u32 $0x2710, v3;
	[tilespmem:$0x5B0] =	vst v42  }
0x139: {  	v41 =	vmul.u32 $0x2710, v6;
	[tilespmem:$0x5C0] =	vst v45;
	v0 =	vadd.s32 v1, v0  }
0x13a: {  	v44 =	vmul.u32 $0x2710, v9;
	v1 =	vadd.s32 v4, v38;
	[tilespmem:$0x780] =	vst v0  }
0x13b: {  	v2 =	vadd.s32 v7, v41;
	[tilespmem:$0x790] =	vst v1;
	v0 =	vmul.u32 $0x2710, v40  }
0x13c: {  	v3 =	vadd.s32 v39, v44;
	[tilespmem:$0x7A0] =	vst v2  }
0x13d: {  	[tilespmem:$0x7B0] =	vst v3;
	v0 =	vadd.s32 v43, v0  }
0x13e: {  	[tilespmem:$0x7C0] =	vst v0  }
0x13f: {  	[tilespmem:s19], [sflag:$0x4] =	stream.indirect.gather [hbm4b:s13+s6], $0x80, s24, s6, $0xb8;
	[tilespmem:$0x1E400] =	vst v63  }
0x140: {  	_ =	swait.ge [sflag:s20], $0x2800  }
0x141: {  	[sflag:s20] =	ssyncset.done $0x0  }
0x142: {  	[sflag:s20] =	ssyncadd.s32 $0xFFFFD800  }
0x143: {  	[spmem:s1] =	stream.indirect.scatter.add.f32 [tilespmem:s8], [sflag:$0x9], $0x80, s21, s6, $0xb8;
	[tilespmem:$0x1E400] =	vst v63  }
0x144: {  	_ =	swait.ge [sflag:s5], $0xF0  }
0x145: {  	[sflag:s5] =	ssyncset.done $0x0  }
0x146: {  	[sflag:s5] =	ssyncadd.s32 $0xFFFFFF10  }
0x147: {  	_ =	swait.ge [sflag:s22], $0x2800  }
0x148: {  	[sflag:s22] =	ssyncset.done $0x0  }
0x149: {  	[sflag:s22] =	ssyncadd.s32 $0xFFFFD800  }
0x14a: {  	v46 =	vld [tilespmem:$0x50]  }
0x14b: {  	v47 =	vld [tilespmem:$0x0]  }
0x14c: {  	v48 =	vld [tilespmem:$0xA0]  }
0x14d: {  	v49 =	vld [tilespmem:$0x60]  }
0x14e: {  	v50 =	vld [tilespmem:$0x10]  }
0x14f: {  	v51 =	vld [tilespmem:$0xB0]  }
0x150: {  	v52 =	vld [tilespmem:$0x70]  }
0x151: {  	v53 =	vld [tilespmem:$0x20]  }
0x152: {  	v54 =	vld [tilespmem:$0xC0]  }
0x153: {  	v60 =	vld [tilespmem:$0xD0]  }
0x154: {  	v63 =	vld [tilespmem:$0xE0]  }
0x155: {  	v55 =	vld [tilespmem:$0x80];
	[tilespmem:$0x400] =	vst v48  }
0x156: {  	v58 =	vld [tilespmem:$0x90];
	[tilespmem:$0x410] =	vst v51  }
0x157: {  	v57 =	vld [tilespmem:$0x30];
	v0 =	vmul.u32 $0x2710, v46;
	[tilespmem:$0x420] =	vst v54  }
0x158: {  	v61 =	vld [tilespmem:$0x40];
	v56 =	vmul.u32 $0x2710, v49;
	[tilespmem:$0x430] =	vst v60  }
0x159: {  	v59 =	vmul.u32 $0x2710, v52;
	[tilespmem:$0x440] =	vst v63;
	v0 =	vadd.s32 v47, v0  }
0x15a: {  	v62 =	vmul.u32 $0x2710, v55;
	v1 =	vadd.s32 v50, v56;
	[tilespmem:$0x600] =	vst v0  }
0x15b: {  	v2 =	vadd.s32 v53, v59;
	[tilespmem:$0x610] =	vst v1;
	v0 =	vmul.u32 $0x2710, v58  }
0x15c: {  	v3 =	vadd.s32 v57, v62;
	[tilespmem:$0x620] =	vst v2  }
0x15d: {  	[tilespmem:$0x630] =	vst v3;
	v0 =	vadd.s32 v61, v0  }
0x15e: {  	s0 =	simm.s32 $0x600;
	[tilespmem:$0x640] =	vst v0  }
0x15f: {  	[tilespmem:s8], [sflag:$0x1] =	stream.indirect.gather [hbm4b:s13+s6], $0x80, s0, s6, $0xb8;
	[tilespmem:$0x1E400] =	vst v63  }
0x160: {  	_ =	swait.ge [sflag:s23], $0x2800  }
0x161: {  	[sflag:s23] =	ssyncset.done $0x0  }
0x162: {  	[sflag:s23] =	ssyncadd.s32 $0xFFFFD800  }
0x163: {  	[spmem:s1] =	stream.indirect.scatter.add.f32 [tilespmem:s11], [sflag:$0xA], $0x80, s7, s6, $0xb8;
	[tilespmem:$0x1E400] =	vst v63  }
0x164: {  	_ =	swait.ge [sflag:s26], $0x2800  }
0x165: {  	[sflag:s26] =	ssyncset.done $0x0  }
0x166: {  	[sflag:s26] =	ssyncadd.s32 $0xFFFFD800  }
0x167: {  	[spmem:s1] =	stream.indirect.scatter.add.f32 [tilespmem:s16], [sflag:$0xB], $0x80, s28, s6, $0xb8;
	[tilespmem:$0x1E400] =	vst v63  }
0x168: {  	_ =	swait.ge [sflag:s30], $0x2800  }
0x169: {  	[sflag:s30] =	ssyncset.done $0x0  }
0x16a: {  	[sflag:s30] =	ssyncadd.s32 $0xFFFFD800  }
0x16b: {  	[spmem:s1] =	stream.indirect.scatter.add.f32 [tilespmem:s19], [sflag:$0xC], $0x80, s15, s6, $0xb8;
	[tilespmem:$0x1E400] =	vst v63  }
0x16c: {  	_ =	swait.ge [sflag:s20], $0x2800  }
0x16d: {  	[sflag:s20] =	ssyncset.done $0x0  }
0x16e: {  	[sflag:s20] =	ssyncadd.s32 $0xFFFFD800  }
0x16f: {  	[spmem:s1] =	stream.indirect.scatter.add.f32 [tilespmem:s8], [sflag:$0x9], $0x80, s21, s6, $0xb8;
	[tilespmem:$0x1E400] =	vst v63  }
0x170: {  	_ =	swait.ge [sflag:s22], $0x2800  }
0x171: {  	[sflag:s22] =	ssyncset.done $0x0  }
0x172: {  	[sflag:s22] =	ssyncadd.s32 $0xFFFFD800  }
0x173: {  	_ =	swait.ge [sflag:s25], $0x2800  }
0x174: {  	[sflag:s25] =	ssyncset.done $0x0  }
0x175: {  	[sflag:s25] =	ssyncadd.s32 $0xFFFFD800  }
0x176: {  	_ =	swait.ge [sflag:s29], $0x2800  }
0x177: {  	[sflag:s29] =	ssyncset.done $0x0  }
0x178: {  	[sflag:s29] =	ssyncadd.s32 $0xFFFFD800  }
0x179: {  	_ =	swait.ge [sflag:s2], $0x2800  }
0x17a: {  	[sflag:s2] =	ssyncset.done $0x0  }
0x17b: {  	[sflag:s2] =	ssyncadd.s32 $0xFFFFD800  }
0x17c: {  	[bflag:$0x0] =	sbarrier.arrive $0xFFFF  }
0x17d: {  	s2 =	rddreg [dreg:$0x8]  }
0x17e: {  	s31 =	rddreg [dreg:$0x12]  }
0x17f: {  	s14 =	rddreg [dreg:$0x19]  }
0x180: {  	[hbm:s2], [sflag:s31] =	dma.local [spmem:s14], $0x500  }
0x181: {  	s2 =	simm.s32 $0xD  }
0x182: {  	_ =	swait.ge [sflag:s2], $0x500  }
0x183: {  	[sflag:s2] =	ssyncset.done $0x0;
	s0 =	rddreg [dreg:$0x9]  }
0x184: {  	s14 =	rddreg [dreg:$0x1a];
	[sflag:s2] =	ssyncadd.s32 $0xFFFFFB00  }
0x185: {  	[hbm:s0], [sflag:s31] =	dma.local [spmem:s14], $0x500  }
0x186: {  	_ =	swait.ge [sflag:s2], $0x500  }
0x187: {  	[sflag:s2] =	ssyncset.done $0x0;
	s0 =	rddreg [dreg:$0xa]  }
0x188: {  	s14 =	rddreg [dreg:$0x1b];
	[sflag:s2] =	ssyncadd.s32 $0xFFFFFB00  }
0x189: {  	[hbm:s0], [sflag:s31] =	dma.local [spmem:s14], $0x500  }
0x18a: {  	_ =	swait.ge [sflag:s2], $0x500  }
0x18b: {  	[sflag:s2] =	ssyncset.done $0x0;
	s0 =	rddreg [dreg:$0xb]  }
0x18c: {  	s14 =	rddreg [dreg:$0x1c];
	[sflag:s2] =	ssyncadd.s32 $0xFFFFFB00  }
0x18d: {  	[hbm:s0], [sflag:s31] =	dma.local [spmem:s14], $0x500  }
0x18e: {  	_ =	swait.ge [sflag:s2], $0x500  }
0x18f: {  	[sflag:s2] =	ssyncset.done $0x0;
	s0 =	rddreg [dreg:$0xc]  }
0x190: {  	s14 =	rddreg [dreg:$0x1d];
	[sflag:s2] =	ssyncadd.s32 $0xFFFFFB00  }
0x191: {  	[hbm:s0], [sflag:s31] =	dma.local [spmem:s14], $0x500  }
0x192: {  	_ =	swait.ge [sflag:s2], $0x500  }
0x193: {  	[sflag:s2] =	ssyncset.done $0x0;
	s0 =	rddreg [dreg:$0xd]  }
0x194: {  	s14 =	rddreg [dreg:$0x1e];
	[sflag:s2] =	ssyncadd.s32 $0xFFFFFB00  }
0x195: {  	[hbm:s0], [sflag:s31] =	dma.local [spmem:s14], $0x500  }
0x196: {  	_ =	swait.ge [sflag:s2], $0x500  }
0x197: {  	[sflag:s2] =	ssyncset.done $0x0;
	s0 =	rddreg [dreg:$0xe]  }
0x198: {  	s14 =	rddreg [dreg:$0x1f];
	[sflag:s2] =	ssyncadd.s32 $0xFFFFFB00  }
0x199: {  	[hbm:s0], [sflag:s31] =	dma.local [spmem:s14], $0x500  }
0x19a: {  	_ =	swait.ge [sflag:s2], $0x500  }
0x19b: {  	s0 =	sld [smem:$0x7FD]  }
0x19c: {  	[sflag:s2] =	ssyncset.done $0x0  }
0x19d: {  	s4 =	rddreg [dreg:$0xf];
	[sflag:s2] =	ssyncadd.s32 $0xFFFFFB00  }
0x19e: {  	[hbm:s4], [sflag:s31] =	dma.local @!p0 [spmem:s0], $0x500  }
0x19f: {  	s4 =	simm.s32 @!p0 $0xD  }
0x1a0: {  	_ =	swait.ge @!p0 [sflag:s4], $0x500  }
0x1a1: {  	s0 =	sld [smem:$0x7FC];
	_ =	sdelay $0x2  }
0x1a2: {  	s14 =	rddreg [dreg:$0x17];
	s2 =	sadd.s32 $0x1, s0  }
0x1a3: {  	p1 =	sne.s32 s2, s14  }
.Ltmp1:
0x1a4: {  	_ = 	snop;
	(pc) =	sbr.rel @p1 .LBB2_1-.Ltmp1, $3  }
0x1a5: {  	_ =	sdelay $0x1  }
0x1a6: {  	[sflag:s4] =	ssyncset.done @!p0 $0x0  }
0x1a7: {  	[sflag:s4] =	ssyncadd.s32 @!p0 $0xFFFFFB00;
	s0 =	simm.s32 $0x100  }
0x1a8: {  	_ =	sfence.sel $0x180000  }
0x1a9: {  	[bflag:$0x0] =	sbarrier.arrive $0xFFFF  }
0x1aa: {  	_ =	strace $0x90000047  }
0x1ab: {  	s0 =	stileid.u32;
	[bflag:$0x2] =	sbarrier.arrive $0xFFFF  }
0x1ac: {  	p0 =	sne.s32 s0, $0x0;
	s0 =	rddreg [dreg:$0x3]  }
0x1ad: {  	s0 =	sadd.s32 @!p0 $0x100000, s0  }
0x1ae: {  	[sflag:s0] =	ssyncadd.tile.s32 @!p0 $0x1;
	_ =	shalt  }
.Lfunc_end2:
_tile_overlayer_lowered:
.L_overlay_start_2:
0x1af: {  	(tag) =	ssettag $0x2  }
0x1b0: {  	s0 =	rddreg [dreg:$0x0];
	s2 =	stileid.u32  }
0x1b1: {  	s1 =	rddreg [dreg:$0x1];
	p0 =	sne.s32 s2, $0x0  }
0x1b2: {  	s3 =	rddreg [dreg:$0x2];
	[bflag:$0x3] =	sbarrier.arrive $0xFFFF;
	s2 =	simm.s32 @!p0 $0x1C0D  }
0x1b3: {  	[timem:s3], [sflag:s2] =	dma.local @!p0 [hbm:s0], s1  }
0x1b4: {  	s0 =	simm.s32 @!p0 $0xD  }
0x1b5: {  	_ =	swait.ge @!p0 [sflag:s0], s1  }
0x1b6: {  	s1 =	ssub.s32 @!p0 $0x0, s1;
	[sflag:s0] =	ssyncset.done @!p0 $0x0  }
0x1b7: {  	[sflag:s0] =	ssyncadd.s32 @!p0 s1  }
0x1b8: {  	[bflag:$0x3] =	sbarrier.arrive $0xFFFF  }
0x1b9: {  	_ =	shalt  }

</sc_bundles>
